<compile_context>
chip_gen: v7x
topology: tpu7x:2x2x1
jax: 0.10.2.dev20260603
libtpu: 0.0.44.dev20260713+nightly
codegen_flags: <defaults>
</compile_context>

<pallas_src>
import functools

import jax
import jax.numpy as jnp
import numpy as np
from jax import lax
from jax.experimental import pallas as pl
from jax.experimental.pallas import tpu as pltpu
from jax.experimental.pallas import tpu_sc as plsc

_NPOINTS = 1024
_VS = 16
_V = _VS ** 3
_P = 8
_B = 16
_NW = 32
_CHUNK = _B * _NPOINTS // _NW
_JROWS = _CHUNK // 128


def _threefry2x32(kpair, count):
    odd = count.size % 2
    flat = count.astype(np.uint32).ravel()
    if odd:
        flat = np.concatenate([flat, np.zeros(1, np.uint32)])
    half = flat.size // 2
    x0, x1 = flat[:half].copy(), flat[half:].copy()
    k0, k1 = np.uint32(kpair[0]), np.uint32(kpair[1])
    ks = [k0, k1, k0 ^ k1 ^ np.uint32(0x1BD11BDA)]
    rotations = ((13, 15, 26, 6), (17, 29, 16, 24))
    with np.errstate(over="ignore"):
        x0 += ks[0]
        x1 += ks[1]
        for i in range(5):
            for r in rotations[i % 2]:
                x0 += x1
                x1 = (x1 << np.uint32(r)) | (x1 >> np.uint32(32 - r))
                x1 ^= x0
            x0 += ks[(i + 1) % 3]
            x1 += ks[(i + 2) % 3] + np.uint32(i + 1)
    out = np.concatenate([x0, x1])
    if odd:
        out = out[:-1]
    return out.reshape(count.shape)


def _fry_blocks(kpair, n):
    cnt = np.concatenate([np.zeros(n, np.uint32), np.arange(n, dtype=np.uint32)])
    out = _threefry2x32(kpair, cnt)
    return out[:n], out[n:]


def _random_bits(kpair, shape):
    size = int(np.prod(shape))
    hi, lo = _fry_blocks(kpair, size)
    return (hi ^ lo).reshape(shape)


def _split(kpair, n=2):
    hi, lo = _fry_blocks(kpair, n)
    return np.stack([hi, lo], axis=-1)


@functools.lru_cache(maxsize=1)
def _rvs_constants():
    root = (np.uint32(0), np.uint32(42))
    keys = _split(root, _B)
    sel = np.empty((_B, _NPOINTS), np.int32)
    r = np.empty((_B, _NPOINTS), np.int32)
    span = np.uint32(2 ** 31 - 1)
    with np.errstate(over="ignore"):
        m16 = np.uint32(np.uint32(65536) % span)
        mult = np.uint32(np.uint32(m16 * m16) % span)
    for b in range(_B):
        kv, kp = _split(keys[b])
        bits = _random_bits(kv, (_V,))
        scores = ((bits >> np.uint32(9)) | np.uint32(0x3F800000)).view(
            np.float32) - np.float32(1.0)
        order = np.argsort(scores, kind="stable")
        sel[b] = order[:_NPOINTS].astype(np.int32)
        khi, klo = _split(kp)
        u = _random_bits(khi, (_NPOINTS,))
        v = _random_bits(klo, (_NPOINTS,))
        with np.errstate(over="ignore"):
            off = np.uint32((u % span) * mult + v % span) % span
        r[b] = off.astype(np.int32)

    bb = np.arange(_B, dtype=np.int32)[:, None]
    phys = (bb * (_V // 128) + sel // 128) * (_P * 128) + sel % 128
    slotpack = np.zeros_like(r)
    for c in range(1, _P + 1):
        slotpack |= (r % c) << (3 * (c - 1))
    const_rows = np.stack([phys.reshape(_NW, _CHUNK),
                           sel.reshape(_NW, _CHUNK),
                           slotpack.reshape(_NW, _CHUNK)], axis=1)

    kx = sel // (_VS * _VS)
    ky = (sel // _VS) % _VS
    kz = sel % _VS
    bids = np.broadcast_to(np.arange(_B, dtype=np.int32)[:, None], (_B, _NPOINTS))
    cidx = np.stack([bids, kx, ky, kz], axis=-1).astype(np.int32)
    const_tab = const_rows.reshape(_NW, 3 * _CHUNK)
    return const_tab, cidx


def _rvs_body(vc_hbm, vp_hbm, const_hbm, out_hbm,
              cr_v, vcs_v, fidx_v, cent_v, sem_k, sem_v, sem_o, *sems):
    wid = lax.axis_index("s") * 2 + lax.axis_index("c")
    b = wid // 2
    h = wid - 2 * b

    ck = pltpu.async_copy(const_hbm.at[wid], cr_v, sem_k)
    cv = pltpu.async_copy(vc_hbm.at[b], vcs_v, sem_v)
    ck.wait()
    cv.wait()

    cent_copies = []
    for j in range(_JROWS):
        for i in range(8):
            pt = j * 128 + i * 16
            cnt = plsc.load_gather(vcs_v, [cr_v[pl.ds(_CHUNK + pt, 16)]])
            pack = cr_v[pl.ds(2 * _CHUNK + pt, 16)]
            slot = lax.shift_right_logical(pack, cnt * 3 - 3) & 7
            fidx_v[j, pl.ds(i * 16, 16)] = (slot * 128
                                            + cr_v[pl.ds(pt, 16)])
        cent_copies.append(
            pltpu.async_copy(vp_hbm.at[fidx_v.at[j]], cent_v.at[j], sems[j]))

    out_rows = []
    for j in range(_JROWS):
        cent_copies[j].wait()
        out_rows.append(
            pltpu.async_copy(cent_v.at[j],
                             out_hbm.at[b // 8, h * _JROWS + j, b % 8],
                             sem_o))
    for c in out_rows:
        c.wait()


@functools.lru_cache(maxsize=1)
def _rvs_kernel():
    mesh = plsc.VectorSubcoreMesh(core_axis_name="c", subcore_axis_name="s")
    return pl.kernel(
        _rvs_body,
        out_type=jax.ShapeDtypeStruct((_B // 8, _NPOINTS // 128, 8, 128),
                                      jnp.int32),
        mesh=mesh,
        scratch_types=[
            pltpu.VMEM((3 * _CHUNK,), jnp.int32),
            pltpu.VMEM((_V,), jnp.int32),
            pltpu.VMEM((_JROWS, 128), jnp.int32),
            pltpu.VMEM((_JROWS, 128), jnp.int32),
            pltpu.SemaphoreType.DMA,
            pltpu.SemaphoreType.DMA,
            pltpu.SemaphoreType.DMA,
        ] + [pltpu.SemaphoreType.DMA] * _JROWS,
        name="rvs_gather",
        compiler_params=pltpu.CompilerParams(needs_layout_passes=False),
    )


def kernel(pos, voxel_points, voxel_counts):
    del pos
    const_tab, cidx = _rvs_constants()
    vp_t = jnp.transpose(voxel_points, (2, 0, 1))
    vp_flat = jnp.transpose(
        vp_t.reshape(_P, _B, _V // 128, 128),
        (1, 2, 0, 3)).reshape(_P * _B * _V)
    cents4 = _rvs_kernel()(voxel_counts, vp_flat, jnp.asarray(const_tab))
    centroids = cents4.transpose(0, 2, 1, 3).reshape(_B, _NPOINTS)
    centroids_index = jnp.asarray(cidx)
    return centroids, centroids_index

# --- scband reference (transcript-rebuilt; emitter-appended) ---
"""Pipeline reference for scband-rvs-46170898432072 (READ-ONLY COPY).

The authoritative reference and input builder live on the scoring server;
editing this copy changes nothing except your own understanding.
"""

import jax, jax.numpy as jnp
import numpy as np

NPOINTS = 1024
VS = 16  # voxel grid resolution per axis; V = VS**3 = 4096


def setup_inputs(seed: int = 0) -> dict:
    key = jax.random.key(seed)
    k1, k2, k3 = jax.random.split(key, 3)
    B, N, V, P = 16, 4096, VS ** 3, 8
    pos = jax.random.normal(k1, (B, N, 3), dtype=jnp.float32)
    # tensorized index_voxels: each voxel holds up to P point indices plus a valid count >= 1
    voxel_points = jax.random.randint(k2, (B, V, P), 0, N).astype(jnp.int32)
    voxel_counts = jax.random.randint(k3, (B, V), 1, P + 1).astype(jnp.int32)
    return {"pos": pos, "voxel_points": voxel_points, "voxel_counts": voxel_counts}


def reference(pos, voxel_points, voxel_counts):
    # RVS: per batch, randomly sample NPOINTS voxels (without replacement;
    # here V >= NPOINTS so the first branch of the torch code is taken),
    # then pick one random point index inside each selected voxel.
    B, N, _ = pos.shape
    V, P = voxel_points.shape[1], voxel_points.shape[2]
    root = jax.random.key(42)

    def per_batch(bkey, vp, vc):
        kv, kp = jax.random.split(bkey)
        # random.sample(dict_keys, npoints): random permutation, take first NPOINTS
        scores = jax.random.uniform(kv, (V,))
        order = jnp.argsort(scores)
        selected = order[:NPOINTS]
        counts = vc[selected]
        # random.randint(0, len(val)-1) -> uniform slot within the voxel's point list
        r = jax.random.randint(kp, (NPOINTS,), 0, 2 ** 31 - 1)
        slot = r % counts
        cents = vp[selected, slot]
        # reconstruct the (kx, ky, kz) voxel key for centroids_index
        kx = selected // (VS * VS)
        ky = (selected // VS) % VS
        kz = selected % VS
        return cents, jnp.stack([kx, ky, kz], axis=-1)

    keys = jax.random.split(root, B)
    centroids, coords = jax.vmap(per_batch)(keys, voxel_points, voxel_counts)
    batch_ids = jnp.broadcast_to(jnp.arange(B, dtype=coords.dtype)[:, None, None], (B, NPOINTS, 1))
    centroids_index = jnp.concatenate([batch_ids, coords], axis=-1)
    return centroids, centroids_index

if __name__ == "__main__":
    import jax
    _d = setup_inputs()
    print(jax.jit(kernel)(*tuple(_d.values())))

</pallas_src>

<mosaic_0001>
#map = affine_map<(d0, d1) -> (0, 0)>
#map1 = affine_map<(d0, d1) -> (0)>
#map2 = affine_map<(d0, d1) -> (0, 0, 0, 0)>
module attributes {stable_mosaic.version = 14 : i64} {
  func.func @rvs_gather(%arg0: i32, %arg1: i32, %arg2: memref<16x4096xi32, #tpu.memory_space<hbm>>, %arg3: memref<524288xi32, #tpu.memory_space<hbm>>, %arg4: memref<32x1536xi32, #tpu.memory_space<hbm>>, %arg5: memref<2x8x8x128xi32, #tpu.memory_space<hbm>>, %arg6: memref<1536xi32, #tpu.memory_space<vmem>>, %arg7: memref<4096xi32, #tpu.memory_space<vmem>>, %arg8: memref<4x128xi32, #tpu.memory_space<vmem>>, %arg9: memref<4x128xi32, #tpu.memory_space<vmem>>, %arg10: memref<!tpu.dma_semaphore, #tpu.memory_space<semaphore_mem>>, %arg11: memref<!tpu.dma_semaphore, #tpu.memory_space<semaphore_mem>>, %arg12: memref<!tpu.dma_semaphore, #tpu.memory_space<semaphore_mem>>, %arg13: memref<!tpu.dma_semaphore, #tpu.memory_space<semaphore_mem>>, %arg14: memref<!tpu.dma_semaphore, #tpu.memory_space<semaphore_mem>>, %arg15: memref<!tpu.dma_semaphore, #tpu.memory_space<semaphore_mem>>, %arg16: memref<!tpu.dma_semaphore, #tpu.memory_space<semaphore_mem>>) attributes {dimension_semantics = [#tpu.dimension_semantics<core_parallel>, #tpu.dimension_semantics<subcore_parallel>], iteration_bounds = array<i64: 2, 16>, scalar_prefetch = 0 : i64, scratch_operands = 11 : i64, tpu.core_type = #tpu.core_type<sc_vector_subcore>, window_params = [{transform_indices = #map}, {transform_indices = #map1}, {transform_indices = #map}, {transform_indices = #map2}]} {
    %mul3A = arith.constant 2 : i32
    %mul3A_0 = arith.muli %arg1, %mul3A : i32
    %add3A = arith.addi %mul3A_0, %arg0 : i32
    %jit3A = arith.constant 2 : i32
    %div3A = arith.divsi %add3A, %jit3A : i32
    %sign3A = arith.constant 0 : i32
    %sign3A_1 = arith.cmpi sgt, %add3A, %sign3A : i32
    %sign3A_2 = arith.extui %sign3A_1 : i1 to i32
    %sign3A_3 = arith.constant 0 : i32
    %sign3A_4 = arith.cmpi slt, %add3A, %sign3A_3 : i32
    %sign3A_5 = arith.extui %sign3A_4 : i1 to i32
    %sign3A_6 = arith.subi %sign3A_2, %sign3A_5 : i32
    %sign3A_7 = arith.constant 0 : i32
    %sign3A_8 = arith.cmpi sgt, %jit3A, %sign3A_7 : i32
    %sign3A_9 = arith.extui %sign3A_8 : i1 to i32
    %sign3A_10 = arith.constant 0 : i32
    %sign3A_11 = arith.cmpi slt, %jit3A, %sign3A_10 : i32
    %sign3A_12 = arith.extui %sign3A_11 : i1 to i32
    %sign3A_13 = arith.subi %sign3A_9, %sign3A_12 : i32
    %ne3A = arith.cmpi ne, %sign3A_6, %sign3A_13 : i32
    %rem3A = arith.remsi %add3A, %jit3A : i32
    %ne3A_14 = arith.constant 0 : i32
    %ne3A_15 = arith.cmpi ne, %rem3A, %ne3A_14 : i32
    %and3A = arith.andi %ne3A, %ne3A_15 : i1
    %sub3A = arith.constant 1 : i32
    %sub3A_16 = arith.subi %div3A, %sub3A : i32
    %select_n3A = arith.select %and3A, %sub3A_16, %div3A : i32
    %mul3A_17 = arith.constant 2 : i32
    %mul3A_18 = arith.muli %mul3A_17, %select_n3A : i32
    %sub3A_19 = arith.subi %add3A, %mul3A_18 : i32
    %dma_start3A = arith.constant 0 : i32
    %dma_start3A_20 = tpu.memref_slice %arg4[%add3A, %dma_start3A] : memref<32x1536xi32, #tpu.memory_space<hbm>> -> memref<1x1536xi32, #tpu.memory_space<hbm>>
    %dma_start3A_21 = tpu.memref_squeeze %dma_start3A_20 : memref<1x1536xi32, #tpu.memory_space<hbm>> -> memref<1536xi32, #tpu.memory_space<hbm>>
    %dma_start3A_22 = arith.constant 0 : i32
    %dma_start3A_23 = tpu.memref_slice %arg4[%add3A, %dma_start3A_22] : memref<32x1536xi32, #tpu.memory_space<hbm>> -> memref<1x1536xi32, #tpu.memory_space<hbm>>
    %dma_start3A_24 = tpu.memref_squeeze %dma_start3A_23 : memref<1x1536xi32, #tpu.memory_space<hbm>> -> memref<1536xi32, #tpu.memory_space<hbm>>
    tpu.enqueue_dma source(%dma_start3A_24 : memref<1536xi32, #tpu.memory_space<hbm>>) target(%arg6 : memref<1536xi32, #tpu.memory_space<vmem>>) target_semaphore(%arg10 : memref<!tpu.dma_semaphore, #tpu.memory_space<semaphore_mem>>)
    %dma_start3A_25 = arith.constant 0 : i32
    %dma_start3A_26 = tpu.memref_slice %arg2[%select_n3A, %dma_start3A_25] : memref<16x4096xi32, #tpu.memory_space<hbm>> -> memref<1x4096xi32, #tpu.memory_space<hbm>>
    %dma_start3A_27 = tpu.memref_squeeze %dma_start3A_26 : memref<1x4096xi32, #tpu.memory_space<hbm>> -> memref<4096xi32, #tpu.memory_space<hbm>>
    %dma_start3A_28 = arith.constant 0 : i32
    %dma_start3A_29 = tpu.memref_slice %arg2[%select_n3A, %dma_start3A_28] : memref<16x4096xi32, #tpu.memory_space<hbm>> -> memref<1x4096xi32, #tpu.memory_space<hbm>>
    %dma_start3A_30 = tpu.memref_squeeze %dma_start3A_29 : memref<1x4096xi32, #tpu.memory_space<hbm>> -> memref<4096xi32, #tpu.memory_space<hbm>>
    tpu.enqueue_dma source(%dma_start3A_30 : memref<4096xi32, #tpu.memory_space<hbm>>) target(%arg7 : memref<4096xi32, #tpu.memory_space<vmem>>) target_semaphore(%arg11 : memref<!tpu.dma_semaphore, #tpu.memory_space<semaphore_mem>>)
    %dma_wait3A = arith.constant 0 : i32
    %dma_wait3A_31 = tpu.memref_slice %arg4[%add3A, %dma_wait3A] : memref<32x1536xi32, #tpu.memory_space<hbm>> -> memref<1x1536xi32, #tpu.memory_space<hbm>>
    %dma_wait3A_32 = tpu.memref_squeeze %dma_wait3A_31 : memref<1x1536xi32, #tpu.memory_space<hbm>> -> memref<1536xi32, #tpu.memory_space<hbm>>
    %dma_wait3A_33 = arith.constant 0 : i32
    %dma_wait3A_34 = tpu.memref_slice %arg4[%add3A, %dma_wait3A_33] : memref<32x1536xi32, #tpu.memory_space<hbm>> -> memref<1x1536xi32, #tpu.memory_space<hbm>>
    %dma_wait3A_35 = tpu.memref_squeeze %dma_wait3A_34 : memref<1x1536xi32, #tpu.memory_space<hbm>> -> memref<1536xi32, #tpu.memory_space<hbm>>
    tpu.wait_dma2 semaphore(%arg10 : memref<!tpu.dma_semaphore, #tpu.memory_space<semaphore_mem>>) src(%dma_wait3A_35 : memref<1536xi32, #tpu.memory_space<hbm>>) dst(%arg6 : memref<1536xi32, #tpu.memory_space<vmem>>)
    %dma_wait3A_36 = arith.constant 0 : i32
    %dma_wait3A_37 = tpu.memref_slice %arg2[%select_n3A, %dma_wait3A_36] : memref<16x4096xi32, #tpu.memory_space<hbm>> -> memref<1x4096xi32, #tpu.memory_space<hbm>>
    %dma_wait3A_38 = tpu.memref_squeeze %dma_wait3A_37 : memref<1x4096xi32, #tpu.memory_space<hbm>> -> memref<4096xi32, #tpu.memory_space<hbm>>
    %dma_wait3A_39 = arith.constant 0 : i32
    %dma_wait3A_40 = tpu.memref_slice %arg2[%select_n3A, %dma_wait3A_39] : memref<16x4096xi32, #tpu.memory_space<hbm>> -> memref<1x4096xi32, #tpu.memory_space<hbm>>
    %dma_wait3A_41 = tpu.memref_squeeze %dma_wait3A_40 : memref<1x4096xi32, #tpu.memory_space<hbm>> -> memref<4096xi32, #tpu.memory_space<hbm>>
    tpu.wait_dma2 semaphore(%arg11 : memref<!tpu.dma_semaphore, #tpu.memory_space<semaphore_mem>>) src(%dma_wait3A_41 : memref<4096xi32, #tpu.memory_space<hbm>>) dst(%arg7 : memref<4096xi32, #tpu.memory_space<vmem>>)
    %get3A = arith.constant 512 : index
    %get3A_42 = tpu.vector_load %arg6[%get3A] {strides = array<i32>} : memref<1536xi32, #tpu.memory_space<vmem>>, vector<16xi32>,
    %gather3A = tpu.vector_load_idx %arg7[%get3A_42] : memref<4096xi32, #tpu.memory_space<vmem>>[vector<16xi32>], vector<16xi32>,
    %get3A_43 = arith.constant 1024 : index
    %get3A_44 = tpu.vector_load %arg6[%get3A_43] {strides = array<i32>} : memref<1536xi32, #tpu.memory_space<vmem>>, vector<16xi32>,
    %mul3A_45 = arith.constant 3 : i32
    %mul3A_46 = vector.broadcast %mul3A_45 : i32 to vector<16xi32>
    %mul3A_47 = arith.muli %gather3A, %mul3A_46 : vector<16xi32>
    %sub3A_48 = arith.constant 3 : i32
    %sub3A_49 = vector.broadcast %sub3A_48 : i32 to vector<16xi32>
    %sub3A_50 = arith.subi %mul3A_47, %sub3A_49 : vector<16xi32>
    %shift_right_logical3A = arith.shrui %get3A_44, %sub3A_50 : vector<16xi32>
    %and3A_51 = arith.constant 7 : i32
    %and3A_52 = vector.broadcast %and3A_51 : i32 to vector<16xi32>
    %and3A_53 = arith.andi %shift_right_logical3A, %and3A_52 : vector<16xi32>
    %mul3A_54 = arith.constant 128 : i32
    %mul3A_55 = vector.broadcast %mul3A_54 : i32 to vector<16xi32>
    %mul3A_56 = arith.muli %and3A_53, %mul3A_55 : vector<16xi32>
    %get3A_57 = arith.constant 0 : index
    %get3A_58 = tpu.vector_load %arg6[%get3A_57] {strides = array<i32>} : memref<1536xi32, #tpu.memory_space<vmem>>, vector<16xi32>,
    %add3A_59 = arith.addi %mul3A_56, %get3A_58 : vector<16xi32>
    %swap3A = arith.constant 0 : i32
    %swap3A_60 = arith.index_cast %swap3A : i32 to index
    %swap3A_61 = arith.constant 0 : index
    %swap3A_62 = tpu.vector_load %arg8[%swap3A_60, %swap3A_61] {strides = array<i32>} : memref<4x128xi32, #tpu.memory_space<vmem>>, vector<16xi32>,
    tpu.vector_store %arg8[%swap3A_60, %swap3A_61], %add3A_59 {strides = array<i32>} : memref<4x128xi32, #tpu.memory_space<vmem>>, vector<16xi32>,
    %get3A_63 = arith.constant 528 : index
    %get3A_64 = tpu.vector_load %arg6[%get3A_63] {strides = array<i32>} : memref<1536xi32, #tpu.memory_space<vmem>>, vector<16xi32>,
    %gather3A_65 = tpu.vector_load_idx %arg7[%get3A_64] : memref<4096xi32, #tpu.memory_space<vmem>>[vector<16xi32>], vector<16xi32>,
    %get3A_66 = arith.constant 1040 : index
    %get3A_67 = tpu.vector_load %arg6[%get3A_66] {strides = array<i32>} : memref<1536xi32, #tpu.memory_space<vmem>>, vector<16xi32>,
    %mul3A_68 = arith.constant 3 : i32
    %mul3A_69 = vector.broadcast %mul3A_68 : i32 to vector<16xi32>
    %mul3A_70 = arith.muli %gather3A_65, %mul3A_69 : vector<16xi32>
    %sub3A_71 = arith.constant 3 : i32
    %sub3A_72 = vector.broadcast %sub3A_71 : i32 to vector<16xi32>
    %sub3A_73 = arith.subi %mul3A_70, %sub3A_72 : vector<16xi32>
    %shift_right_logical3A_74 = arith.shrui %get3A_67, %sub3A_73 : vector<16xi32>
    %and3A_75 = arith.constant 7 : i32
    %and3A_76 = vector.broadcast %and3A_75 : i32 to vector<16xi32>
    %and3A_77 = arith.andi %shift_right_logical3A_74, %and3A_76 : vector<16xi32>
    %mul3A_78 = arith.constant 128 : i32
    %mul3A_79 = vector.broadcast %mul3A_78 : i32 to vector<16xi32>
    %mul3A_80 = arith.muli %and3A_77, %mul3A_79 : vector<16xi32>
    %get3A_81 = arith.constant 16 : index
    %get3A_82 = tpu.vector_load %arg6[%get3A_81] {strides = array<i32>} : memref<1536xi32, #tpu.memory_space<vmem>>, vector<16xi32>,
    %add3A_83 = arith.addi %mul3A_80, %get3A_82 : vector<16xi32>
    %swap3A_84 = arith.constant 0 : i32
    %swap3A_85 = arith.index_cast %swap3A_84 : i32 to index
    %swap3A_86 = arith.constant 16 : index
    %swap3A_87 = tpu.vector_load %arg8[%swap3A_85, %swap3A_86] {strides = array<i32>} : memref<4x128xi32, #tpu.memory_space<vmem>>, vector<16xi32>,
    tpu.vector_store %arg8[%swap3A_85, %swap3A_86], %add3A_83 {strides = array<i32>} : memref<4x128xi32, #tpu.memory_space<vmem>>, vector<16xi32>,
    %get3A_88 = arith.constant 544 : index
    %get3A_89 = tpu.vector_load %arg6[%get3A_88] {strides = array<i32>} : memref<1536xi32, #tpu.memory_space<vmem>>, vector<16xi32>,
    %gather3A_90 = tpu.vector_load_idx %arg7[%get3A_89] : memref<4096xi32, #tpu.memory_space<vmem>>[vector<16xi32>], vector<16xi32>,
    %get3A_91 = arith.constant 1056 : index
    %get3A_92 = tpu.vector_load %arg6[%get3A_91] {strides = array<i32>} : memref<1536xi32, #tpu.memory_space<vmem>>, vector<16xi32>,
    %mul3A_93 = arith.constant 3 : i32
    %mul3A_94 = vector.broadcast %mul3A_93 : i32 to vector<16xi32>
    %mul3A_95 = arith.muli %gather3A_90, %mul3A_94 : vector<16xi32>
    %sub3A_96 = arith.constant 3 : i32
    %sub3A_97 = vector.broadcast %sub3A_96 : i32 to vector<16xi32>
    %sub3A_98 = arith.subi %mul3A_95, %sub3A_97 : vector<16xi32>
    %shift_right_logical3A_99 = arith.shrui %get3A_92, %sub3A_98 : vector<16xi32>
    %and3A_100 = arith.constant 7 : i32
    %and3A_101 = vector.broadcast %and3A_100 : i32 to vector<16xi32>
    %and3A_102 = arith.andi %shift_right_logical3A_99, %and3A_101 : vector<16xi32>
    %mul3A_103 = arith.constant 128 : i32
    %mul3A_104 = vector.broadcast %mul3A_103 : i32 to vector<16xi32>
    %mul3A_105 = arith.muli %and3A_102, %mul3A_104 : vector<16xi32>
    %get3A_106 = arith.constant 32 : index
    %get3A_107 = tpu.vector_load %arg6[%get3A_106] {strides = array<i32>} : memref<1536xi32, #tpu.memory_space<vmem>>, vector<16xi32>,
    %add3A_108 = arith.addi %mul3A_105, %get3A_107 : vector<16xi32>
    %swap3A_109 = arith.constant 0 : i32
    %swap3A_110 = arith.index_cast %swap3A_109 : i32 to index
    %swap3A_111 = arith.constant 32 : index
    %swap3A_112 = tpu.vector_load %arg8[%swap3A_110, %swap3A_111] {strides = array<i32>} : memref<4x128xi32, #tpu.memory_space<vmem>>, vector<16xi32>,
    tpu.vector_store %arg8[%swap3A_110, %swap3A_111], %add3A_108 {strides = array<i32>} : memref<4x128xi32, #tpu.memory_space<vmem>>, vector<16xi32>,
    %get3A_113 = arith.constant 560 : index
    %get3A_114 = tpu.vector_load %arg6[%get3A_113] {strides = array<i32>} : memref<1536xi32, #tpu.memory_space<vmem>>, vector<16xi32>,
    %gather3A_115 = tpu.vector_load_idx %arg7[%get3A_114] : memref<4096xi32, #tpu.memory_space<vmem>>[vector<16xi32>], vector<16xi32>,
    %get3A_116 = arith.constant 1072 : index
    %get3A_117 = tpu.vector_load %arg6[%get3A_116] {strides = array<i32>} : memref<1536xi32, #tpu.memory_space<vmem>>, vector<16xi32>,
    %mul3A_118 = arith.constant 3 : i32
    %mul3A_119 = vector.broadcast %mul3A_118 : i32 to vector<16xi32>
    %mul3A_120 = arith.muli %gather3A_115, %mul3A_119 : vector<16xi32>
    %sub3A_121 = arith.constant 3 : i32
    %sub3A_122 = vector.broadcast %sub3A_121 : i32 to vector<16xi32>
    %sub3A_123 = arith.subi %mul3A_120, %sub3A_122 : vector<16xi32>
    %shift_right_logical3A_124 = arith.shrui %get3A_117, %sub3A_123 : vector<16xi32>
    %and3A_125 = arith.constant 7 : i32
    %and3A_126 = vector.broadcast %and3A_125 : i32 to vector<16xi32>
    %and3A_127 = arith.andi %shift_right_logical3A_124, %and3A_126 : vector<16xi32>
    %mul3A_128 = arith.constant 128 : i32
    %mul3A_129 = vector.broadcast %mul3A_128 : i32 to vector<16xi32>
    %mul3A_130 = arith.muli %and3A_127, %mul3A_129 : vector<16xi32>
    %get3A_131 = arith.constant 48 : index
    %get3A_132 = tpu.vector_load %arg6[%get3A_131] {strides = array<i32>} : memref<1536xi32, #tpu.memory_space<vmem>>, vector<16xi32>,
    %add3A_133 = arith.addi %mul3A_130, %get3A_132 : vector<16xi32>
    %swap3A_134 = arith.constant 0 : i32
    %swap3A_135 = arith.index_cast %swap3A_134 : i32 to index
    %swap3A_136 = arith.constant 48 : index
    %swap3A_137 = tpu.vector_load %arg8[%swap3A_135, %swap3A_136] {strides = array<i32>} : memref<4x128xi32, #tpu.memory_space<vmem>>, vector<16xi32>,
    tpu.vector_store %arg8[%swap3A_135, %swap3A_136], %add3A_133 {strides = array<i32>} : memref<4x128xi32, #tpu.memory_space<vmem>>, vector<16xi32>,
    %get3A_138 = arith.constant 576 : index
    %get3A_139 = tpu.vector_load %arg6[%get3A_138] {strides = array<i32>} : memref<1536xi32, #tpu.memory_space<vmem>>, vector<16xi32>,
    %gather3A_140 = tpu.vector_load_idx %arg7[%get3A_139] : memref<4096xi32, #tpu.memory_space<vmem>>[vector<16xi32>], vector<16xi32>,
    %get3A_141 = arith.constant 1088 : index
    %get3A_142 = tpu.vector_load %arg6[%get3A_141] {strides = array<i32>} : memref<1536xi32, #tpu.memory_space<vmem>>, vector<16xi32>,
    %mul3A_143 = arith.constant 3 : i32
    %mul3A_144 = vector.broadcast %mul3A_143 : i32 to vector<16xi32>
    %mul3A_145 = arith.muli %gather3A_140, %mul3A_144 : vector<16xi32>
    %sub3A_146 = arith.constant 3 : i32
    %sub3A_147 = vector.broadcast %sub3A_146 : i32 to vector<16xi32>
    %sub3A_148 = arith.subi %mul3A_145, %sub3A_147 : vector<16xi32>
    %shift_right_logical3A_149 = arith.shrui %get3A_142, %sub3A_148 : vector<16xi32>
    %and3A_150 = arith.constant 7 : i32
    %and3A_151 = vector.broadcast %and3A_150 : i32 to vector<16xi32>
    %and3A_152 = arith.andi %shift_right_logical3A_149, %and3A_151 : vector<16xi32>
    %mul3A_153 = arith.constant 128 : i32
    %mul3A_154 = vector.broadcast %mul3A_153 : i32 to vector<16xi32>
    %mul3A_155 = arith.muli %and3A_152, %mul3A_154 : vector<16xi32>
    %get3A_156 = arith.constant 64 : index
    %get3A_157 = tpu.vector_load %arg6[%get3A_156] {strides = array<i32>} : memref<1536xi32, #tpu.memory_space<vmem>>, vector<16xi32>,
    %add3A_158 = arith.addi %mul3A_155, %get3A_157 : vector<16xi32>
    %swap3A_159 = arith.constant 0 : i32
    %swap3A_160 = arith.index_cast %swap3A_159 : i32 to index
    %swap3A_161 = arith.constant 64 : index
    %swap3A_162 = tpu.vector_load %arg8[%swap3A_160, %swap3A_161] {strides = array<i32>} : memref<4x128xi32, #tpu.memory_space<vmem>>, vector<16xi32>,
    tpu.vector_store %arg8[%swap3A_160, %swap3A_161], %add3A_158 {strides = array<i32>} : memref<4x128xi32, #tpu.memory_space<vmem>>, vector<16xi32>,
    %get3A_163 = arith.constant 592 : index
    %get3A_164 = tpu.vector_load %arg6[%get3A_163] {strides = array<i32>} : memref<1536xi32, #tpu.memory_space<vmem>>, vector<16xi32>,
    %gather3A_165 = tpu.vector_load_idx %arg7[%get3A_164] : memref<4096xi32, #tpu.memory_space<vmem>>[vector<16xi32>], vector<16xi32>,
    %get3A_166 = arith.constant 1104 : index
    %get3A_167 = tpu.vector_load %arg6[%get3A_166] {strides = array<i32>} : memref<1536xi32, #tpu.memory_space<vmem>>, vector<16xi32>,
    %mul3A_168 = arith.constant 3 : i32
    %mul3A_169 = vector.broadcast %mul3A_168 : i32 to vector<16xi32>
    %mul3A_170 = arith.muli %gather3A_165, %mul3A_169 : vector<16xi32>
    %sub3A_171 = arith.constant 3 : i32
    %sub3A_172 = vector.broadcast %sub3A_171 : i32 to vector<16xi32>
    %sub3A_173 = arith.subi %mul3A_170, %sub3A_172 : vector<16xi32>
    %shift_right_logical3A_174 = arith.shrui %get3A_167, %sub3A_173 : vector<16xi32>
    %and3A_175 = arith.constant 7 : i32
    %and3A_176 = vector.broadcast %and3A_175 : i32 to vector<16xi32>
    %and3A_177 = arith.andi %shift_right_logical3A_174, %and3A_176 : vector<16xi32>
    %mul3A_178 = arith.constant 128 : i32
    %mul3A_179 = vector.broadcast %mul3A_178 : i32 to vector<16xi32>
    %mul3A_180 = arith.muli %and3A_177, %mul3A_179 : vector<16xi32>
    %get3A_181 = arith.constant 80 : index
    %get3A_182 = tpu.vector_load %arg6[%get3A_181] {strides = array<i32>} : memref<1536xi32, #tpu.memory_space<vmem>>, vector<16xi32>,
    %add3A_183 = arith.addi %mul3A_180, %get3A_182 : vector<16xi32>
    %swap3A_184 = arith.constant 0 : i32
    %swap3A_185 = arith.index_cast %swap3A_184 : i32 to index
    %swap3A_186 = arith.constant 80 : index
    %swap3A_187 = tpu.vector_load %arg8[%swap3A_185, %swap3A_186] {strides = array<i32>} : memref<4x128xi32, #tpu.memory_space<vmem>>, vector<16xi32>,
    tpu.vector_store %arg8[%swap3A_185, %swap3A_186], %add3A_183 {strides = array<i32>} : memref<4x128xi32, #tpu.memory_space<vmem>>, vector<16xi32>,
    %get3A_188 = arith.constant 608 : index
    %get3A_189 = tpu.vector_load %arg6[%get3A_188] {strides = array<i32>} : memref<1536xi32, #tpu.memory_space<vmem>>, vector<16xi32>,
    %gather3A_190 = tpu.vector_load_idx %arg7[%get3A_189] : memref<4096xi32, #tpu.memory_space<vmem>>[vector<16xi32>], vector<16xi32>,
    %get3A_191 = arith.constant 1120 : index
    %get3A_192 = tpu.vector_load %arg6[%get3A_191] {strides = array<i32>} : memref<1536xi32, #tpu.memory_space<vmem>>, vector<16xi32>,
    %mul3A_193 = arith.constant 3 : i32
    %mul3A_194 = vector.broadcast %mul3A_193 : i32 to vector<16xi32>
    %mul3A_195 = arith.muli %gather3A_190, %mul3A_194 : vector<16xi32>
    %sub3A_196 = arith.constant 3 : i32
    %sub3A_197 = vector.broadcast %sub3A_196 : i32 to vector<16xi32>
    %sub3A_198 = arith.subi %mul3A_195, %sub3A_197 : vector<16xi32>
    %shift_right_logical3A_199 = arith.shrui %get3A_192, %sub3A_198 : vector<16xi32>
    %and3A_200 = arith.constant 7 : i32
    %and3A_201 = vector.broadcast %and3A_200 : i32 to vector<16xi32>
    %and3A_202 = arith.andi %shift_right_logical3A_199, %and3A_201 : vector<16xi32>
    %mul3A_203 = arith.constant 128 : i32
    %mul3A_204 = vector.broadcast %mul3A_203 : i32 to vector<16xi32>
    %mul3A_205 = arith.muli %and3A_202, %mul3A_204 : vector<16xi32>
    %get3A_206 = arith.constant 96 : index
    %get3A_207 = tpu.vector_load %arg6[%get3A_206] {strides = array<i32>} : memref<1536xi32, #tpu.memory_space<vmem>>, vector<16xi32>,
    %add3A_208 = arith.addi %mul3A_205, %get3A_207 : vector<16xi32>
    %swap3A_209 = arith.constant 0 : i32
    %swap3A_210 = arith.index_cast %swap3A_209 : i32 to index
    %swap3A_211 = arith.constant 96 : index
    %swap3A_212 = tpu.vector_load %arg8[%swap3A_210, %swap3A_211] {strides = array<i32>} : memref<4x128xi32, #tpu.memory_space<vmem>>, vector<16xi32>,
    tpu.vector_store %arg8[%swap3A_210, %swap3A_211], %add3A_208 {strides = array<i32>} : memref<4x128xi32, #tpu.memory_space<vmem>>, vector<16xi32>,
    %get3A_213 = arith.constant 624 : index
    %get3A_214 = tpu.vector_load %arg6[%get3A_213] {strides = array<i32>} : memref<1536xi32, #tpu.memory_space<vmem>>, vector<16xi32>,
    %gather3A_215 = tpu.vector_load_idx %arg7[%get3A_214] : memref<4096xi32, #tpu.memory_space<vmem>>[vector<16xi32>], vector<16xi32>,
    %get3A_216 = arith.constant 1136 : index
    %get3A_217 = tpu.vector_load %arg6[%get3A_216] {strides = array<i32>} : memref<1536xi32, #tpu.memory_space<vmem>>, vector<16xi32>,
    %mul3A_218 = arith.constant 3 : i32
    %mul3A_219 = vector.broadcast %mul3A_218 : i32 to vector<16xi32>
    %mul3A_220 = arith.muli %gather3A_215, %mul3A_219 : vector<16xi32>
    %sub3A_221 = arith.constant 3 : i32
    %sub3A_222 = vector.broadcast %sub3A_221 : i32 to vector<16xi32>
    %sub3A_223 = arith.subi %mul3A_220, %sub3A_222 : vector<16xi32>
    %shift_right_logical3A_224 = arith.shrui %get3A_217, %sub3A_223 : vector<16xi32>
    %and3A_225 = arith.constant 7 : i32
    %and3A_226 = vector.broadcast %and3A_225 : i32 to vector<16xi32>
    %and3A_227 = arith.andi %shift_right_logical3A_224, %and3A_226 : vector<16xi32>
    %mul3A_228 = arith.constant 128 : i32
    %mul3A_229 = vector.broadcast %mul3A_228 : i32 to vector<16xi32>
    %mul3A_230 = arith.muli %and3A_227, %mul3A_229 : vector<16xi32>
    %get3A_231 = arith.constant 112 : index
    %get3A_232 = tpu.vector_load %arg6[%get3A_231] {strides = array<i32>} : memref<1536xi32, #tpu.memory_space<vmem>>, vector<16xi32>,
    %add3A_233 = arith.addi %mul3A_230, %get3A_232 : vector<16xi32>
    %swap3A_234 = arith.constant 0 : i32
    %swap3A_235 = arith.index_cast %swap3A_234 : i32 to index
    %swap3A_236 = arith.constant 112 : index
    %swap3A_237 = tpu.vector_load %arg8[%swap3A_235, %swap3A_236] {strides = array<i32>} : memref<4x128xi32, #tpu.memory_space<vmem>>, vector<16xi32>,
    tpu.vector_store %arg8[%swap3A_235, %swap3A_236], %add3A_233 {strides = array<i32>} : memref<4x128xi32, #tpu.memory_space<vmem>>, vector<16xi32>,
    %dma_start3A_238 = arith.constant 0 : i32
    %dma_start3A_239 = arith.constant 0 : i32
    %dma_start3A_240 = arith.constant 0 : i32
    %dma_start3A_241 = tpu.memref_slice %arg9[%dma_start3A_239, %dma_start3A_240] : memref<4x128xi32, #tpu.memory_space<vmem>> -> memref<1x128xi32, #tpu.memory_space<vmem>>
    %dma_start3A_242 = tpu.memref_squeeze %dma_start3A_241 : memref<1x128xi32, #tpu.memory_space<vmem>> -> memref<128xi32, #tpu.memory_space<vmem>>
    %dma_start3A_243 = arith.constant 0 : i32
    %dma_start3A_244 = tpu.memref_slice %arg8[%dma_start3A_238, %dma_start3A_243] : memref<4x128xi32, #tpu.memory_space<vmem>> -> memref<1x128xi32, #tpu.memory_space<vmem>>
    %dma_start3A_245 = tpu.memref_squeeze %dma_start3A_244 : memref<1x128xi32, #tpu.memory_space<vmem>> -> memref<128xi32, #tpu.memory_space<vmem>>
    %dma_start3A_246 = arith.constant 0 : i32
    %dma_start3A_247 = tpu.memref_slice %arg3[%dma_start3A_246] : memref<524288xi32, #tpu.memory_space<hbm>> -> memref<524288xi32, #tpu.memory_space<hbm>>
    tpu.enqueue_indirect_dma source(%dma_start3A_247 : memref<524288xi32, #tpu.memory_space<hbm>>) target(%dma_start3A_242 : memref<128xi32, #tpu.memory_space<vmem>>) offsets(%dma_start3A_245 : memref<128xi32, #tpu.memory_space<vmem>>) semaphore(%arg13 : memref<!tpu.dma_semaphore, #tpu.memory_space<semaphore_mem>>)
    %get3A_248 = arith.constant 640 : index
    %get3A_249 = tpu.vector_load %arg6[%get3A_248] {strides = array<i32>} : memref<1536xi32, #tpu.memory_space<vmem>>, vector<16xi32>,
    %gather3A_250 = tpu.vector_load_idx %arg7[%get3A_249] : memref<4096xi32, #tpu.memory_space<vmem>>[vector<16xi32>], vector<16xi32>,
    %get3A_251 = arith.constant 1152 : index
    %get3A_252 = tpu.vector_load %arg6[%get3A_251] {strides = array<i32>} : memref<1536xi32, #tpu.memory_space<vmem>>, vector<16xi32>,
    %mul3A_253 = arith.constant 3 : i32
    %mul3A_254 = vector.broadcast %mul3A_253 : i32 to vector<16xi32>
    %mul3A_255 = arith.muli %gather3A_250, %mul3A_254 : vector<16xi32>
    %sub3A_256 = arith.constant 3 : i32
    %sub3A_257 = vector.broadcast %sub3A_256 : i32 to vector<16xi32>
    %sub3A_258 = arith.subi %mul3A_255, %sub3A_257 : vector<16xi32>
    %shift_right_logical3A_259 = arith.shrui %get3A_252, %sub3A_258 : vector<16xi32>
    %and3A_260 = arith.constant 7 : i32
    %and3A_261 = vector.broadcast %and3A_260 : i32 to vector<16xi32>
    %and3A_262 = arith.andi %shift_right_logical3A_259, %and3A_261 : vector<16xi32>
    %mul3A_263 = arith.constant 128 : i32
    %mul3A_264 = vector.broadcast %mul3A_263 : i32 to vector<16xi32>
    %mul3A_265 = arith.muli %and3A_262, %mul3A_264 : vector<16xi32>
    %get3A_266 = arith.constant 128 : index
    %get3A_267 = tpu.vector_load %arg6[%get3A_266] {strides = array<i32>} : memref<1536xi32, #tpu.memory_space<vmem>>, vector<16xi32>,
    %add3A_268 = arith.addi %mul3A_265, %get3A_267 : vector<16xi32>
    %swap3A_269 = arith.constant 1 : i32
    %swap3A_270 = arith.index_cast %swap3A_269 : i32 to index
    %swap3A_271 = arith.constant 0 : index
    %swap3A_272 = tpu.vector_load %arg8[%swap3A_270, %swap3A_271] {strides = array<i32>} : memref<4x128xi32, #tpu.memory_space<vmem>>, vector<16xi32>,
    tpu.vector_store %arg8[%swap3A_270, %swap3A_271], %add3A_268 {strides = array<i32>} : memref<4x128xi32, #tpu.memory_space<vmem>>, vector<16xi32>,
    %get3A_273 = arith.constant 656 : index
    %get3A_274 = tpu.vector_load %arg6[%get3A_273] {strides = array<i32>} : memref<1536xi32, #tpu.memory_space<vmem>>, vector<16xi32>,
    %gather3A_275 = tpu.vector_load_idx %arg7[%get3A_274] : memref<4096xi32, #tpu.memory_space<vmem>>[vector<16xi32>], vector<16xi32>,
    %get3A_276 = arith.constant 1168 : index
    %get3A_277 = tpu.vector_load %arg6[%get3A_276] {strides = array<i32>} : memref<1536xi32, #tpu.memory_space<vmem>>, vector<16xi32>,
    %mul3A_278 = arith.constant 3 : i32
    %mul3A_279 = vector.broadcast %mul3A_278 : i32 to vector<16xi32>
    %mul3A_280 = arith.muli %gather3A_275, %mul3A_279 : vector<16xi32>
    %sub3A_281 = arith.constant 3 : i32
    %sub3A_282 = vector.broadcast %sub3A_281 : i32 to vector<16xi32>
    %sub3A_283 = arith.subi %mul3A_280, %sub3A_282 : vector<16xi32>
    %shift_right_logical3A_284 = arith.shrui %get3A_277, %sub3A_283 : vector<16xi32>
    %and3A_285 = arith.constant 7 : i32
    %and3A_286 = vector.broadcast %and3A_285 : i32 to vector<16xi32>
    %and3A_287 = arith.andi %shift_right_logical3A_284, %and3A_286 : vector<16xi32>
    %mul3A_288 = arith.constant 128 : i32
    %mul3A_289 = vector.broadcast %mul3A_288 : i32 to vector<16xi32>
    %mul3A_290 = arith.muli %and3A_287, %mul3A_289 : vector<16xi32>
    %get3A_291 = arith.constant 144 : index
    %get3A_292 = tpu.vector_load %arg6[%get3A_291] {strides = array<i32>} : memref<1536xi32, #tpu.memory_space<vmem>>, vector<16xi32>,
    %add3A_293 = arith.addi %mul3A_290, %get3A_292 : vector<16xi32>
    %swap3A_294 = arith.constant 1 : i32
    %swap3A_295 = arith.index_cast %swap3A_294 : i32 to index
    %swap3A_296 = arith.constant 16 : index
    %swap3A_297 = tpu.vector_load %arg8[%swap3A_295, %swap3A_296] {strides = array<i32>} : memref<4x128xi32, #tpu.memory_space<vmem>>, vector<16xi32>,
    tpu.vector_store %arg8[%swap3A_295, %swap3A_296], %add3A_293 {strides = array<i32>} : memref<4x128xi32, #tpu.memory_space<vmem>>, vector<16xi32>,
    %get3A_298 = arith.constant 672 : index
    %get3A_299 = tpu.vector_load %arg6[%get3A_298] {strides = array<i32>} : memref<1536xi32, #tpu.memory_space<vmem>>, vector<16xi32>,
    %gather3A_300 = tpu.vector_load_idx %arg7[%get3A_299] : memref<4096xi32, #tpu.memory_space<vmem>>[vector<16xi32>], vector<16xi32>,
    %get3A_301 = arith.constant 1184 : index
    %get3A_302 = tpu.vector_load %arg6[%get3A_301] {strides = array<i32>} : memref<1536xi32, #tpu.memory_space<vmem>>, vector<16xi32>,
    %mul3A_303 = arith.constant 3 : i32
    %mul3A_304 = vector.broadcast %mul3A_303 : i32 to vector<16xi32>
    %mul3A_305 = arith.muli %gather3A_300, %mul3A_304 : vector<16xi32>
    %sub3A_306 = arith.constant 3 : i32
    %sub3A_307 = vector.broadcast %sub3A_306 : i32 to vector<16xi32>
    %sub3A_308 = arith.subi %mul3A_305, %sub3A_307 : vector<16xi32>
    %shift_right_logical3A_309 = arith.shrui %get3A_302, %sub3A_308 : vector<16xi32>
    %and3A_310 = arith.constant 7 : i32
    %and3A_311 = vector.broadcast %and3A_310 : i32 to vector<16xi32>
    %and3A_312 = arith.andi %shift_right_logical3A_309, %and3A_311 : vector<16xi32>
    %mul3A_313 = arith.constant 128 : i32
    %mul3A_314 = vector.broadcast %mul3A_313 : i32 to vector<16xi32>
    %mul3A_315 = arith.muli %and3A_312, %mul3A_314 : vector<16xi32>
    %get3A_316 = arith.constant 160 : index
    %get3A_317 = tpu.vector_load %arg6[%get3A_316] {strides = array<i32>} : memref<1536xi32, #tpu.memory_space<vmem>>, vector<16xi32>,
    %add3A_318 = arith.addi %mul3A_315, %get3A_317 : vector<16xi32>
    %swap3A_319 = arith.constant 1 : i32
    %swap3A_320 = arith.index_cast %swap3A_319 : i32 to index
    %swap3A_321 = arith.constant 32 : index
    %swap3A_322 = tpu.vector_load %arg8[%swap3A_320, %swap3A_321] {strides = array<i32>} : memref<4x128xi32, #tpu.memory_space<vmem>>, vector<16xi32>,
    tpu.vector_store %arg8[%swap3A_320, %swap3A_321], %add3A_318 {strides = array<i32>} : memref<4x128xi32, #tpu.memory_space<vmem>>, vector<16xi32>,
    %get3A_323 = arith.constant 688 : index
    %get3A_324 = tpu.vector_load %arg6[%get3A_323] {strides = array<i32>} : memref<1536xi32, #tpu.memory_space<vmem>>, vector<16xi32>,
    %gather3A_325 = tpu.vector_load_idx %arg7[%get3A_324] : memref<4096xi32, #tpu.memory_space<vmem>>[vector<16xi32>], vector<16xi32>,
    %get3A_326 = arith.constant 1200 : index
    %get3A_327 = tpu.vector_load %arg6[%get3A_326] {strides = array<i32>} : memref<1536xi32, #tpu.memory_space<vmem>>, vector<16xi32>,
    %mul3A_328 = arith.constant 3 : i32
    %mul3A_329 = vector.broadcast %mul3A_328 : i32 to vector<16xi32>
    %mul3A_330 = arith.muli %gather3A_325, %mul3A_329 : vector<16xi32>
    %sub3A_331 = arith.constant 3 : i32
    %sub3A_332 = vector.broadcast %sub3A_331 : i32 to vector<16xi32>
    %sub3A_333 = arith.subi %mul3A_330, %sub3A_332 : vector<16xi32>
    %shift_right_logical3A_334 = arith.shrui %get3A_327, %sub3A_333 : vector<16xi32>
    %and3A_335 = arith.constant 7 : i32
    %and3A_336 = vector.broadcast %and3A_335 : i32 to vector<16xi32>
    %and3A_337 = arith.andi %shift_right_logical3A_334, %and3A_336 : vector<16xi32>
    %mul3A_338 = arith.constant 128 : i32
    %mul3A_339 = vector.broadcast %mul3A_338 : i32 to vector<16xi32>
    %mul3A_340 = arith.muli %and3A_337, %mul3A_339 : vector<16xi32>
    %get3A_341 = arith.constant 176 : index
    %get3A_342 = tpu.vector_load %arg6[%get3A_341] {strides = array<i32>} : memref<1536xi32, #tpu.memory_space<vmem>>, vector<16xi32>,
    %add3A_343 = arith.addi %mul3A_340, %get3A_342 : vector<16xi32>
    %swap3A_344 = arith.constant 1 : i32
    %swap3A_345 = arith.index_cast %swap3A_344 : i32 to index
    %swap3A_346 = arith.constant 48 : index
    %swap3A_347 = tpu.vector_load %arg8[%swap3A_345, %swap3A_346] {strides = array<i32>} : memref<4x128xi32, #tpu.memory_space<vmem>>, vector<16xi32>,
    tpu.vector_store %arg8[%swap3A_345, %swap3A_346], %add3A_343 {strides = array<i32>} : memref<4x128xi32, #tpu.memory_space<vmem>>, vector<16xi32>,
    %get3A_348 = arith.constant 704 : index
    %get3A_349 = tpu.vector_load %arg6[%get3A_348] {strides = array<i32>} : memref<1536xi32, #tpu.memory_space<vmem>>, vector<16xi32>,
    %gather3A_350 = tpu.vector_load_idx %arg7[%get3A_349] : memref<4096xi32, #tpu.memory_space<vmem>>[vector<16xi32>], vector<16xi32>,
    %get3A_351 = arith.constant 1216 : index
    %get3A_352 = tpu.vector_load %arg6[%get3A_351] {strides = array<i32>} : memref<1536xi32, #tpu.memory_space<vmem>>, vector<16xi32>,
    %mul3A_353 = arith.constant 3 : i32
    %mul3A_354 = vector.broadcast %mul3A_353 : i32 to vector<16xi32>
    %mul3A_355 = arith.muli %gather3A_350, %mul3A_354 : vector<16xi32>
    %sub3A_356 = arith.constant 3 : i32
    %sub3A_357 = vector.broadcast %sub3A_356 : i32 to vector<16xi32>
    %sub3A_358 = arith.subi %mul3A_355, %sub3A_357 : vector<16xi32>
    %shift_right_logical3A_359 = arith.shrui %get3A_352, %sub3A_358 : vector<16xi32>
    %and3A_360 = arith.constant 7 : i32
    %and3A_361 = vector.broadcast %and3A_360 : i32 to vector<16xi32>
    %and3A_362 = arith.andi %shift_right_logical3A_359, %and3A_361 : vector<16xi32>
    %mul3A_363 = arith.constant 128 : i32
    %mul3A_364 = vector.broadcast %mul3A_363 : i32 to vector<16xi32>
    %mul3A_365 = arith.muli %and3A_362, %mul3A_364 : vector<16xi32>
    %get3A_366 = arith.constant 192 : index
    %get3A_367 = tpu.vector_load %arg6[%get3A_366] {strides = array<i32>} : memref<1536xi32, #tpu.memory_space<vmem>>, vector<16xi32>,
    %add3A_368 = arith.addi %mul3A_365, %get3A_367 : vector<16xi32>
    %swap3A_369 = arith.constant 1 : i32
    %swap3A_370 = arith.index_cast %swap3A_369 : i32 to index
    %swap3A_371 = arith.constant 64 : index
    %swap3A_372 = tpu.vector_load %arg8[%swap3A_370, %swap3A_371] {strides = array<i32>} : memref<4x128xi32, #tpu.memory_space<vmem>>, vector<16xi32>,
    tpu.vector_store %arg8[%swap3A_370, %swap3A_371], %add3A_368 {strides = array<i32>} : memref<4x128xi32, #tpu.memory_space<vmem>>, vector<16xi32>,
    %get3A_373 = arith.constant 720 : index
    %get3A_374 = tpu.vector_load %arg6[%get3A_373] {strides = array<i32>} : memref<1536xi32, #tpu.memory_space<vmem>>, vector<16xi32>,
    %gather3A_375 = tpu.vector_load_idx %arg7[%get3A_374] : memref<4096xi32, #tpu.memory_space<vmem>>[vector<16xi32>], vector<16xi32>,
    %get3A_376 = arith.constant 1232 : index
    %get3A_377 = tpu.vector_load %arg6[%get3A_376] {strides = array<i32>} : memref<1536xi32, #tpu.memory_space<vmem>>, vector<16xi32>,
    %mul3A_378 = arith.constant 3 : i32
    %mul3A_379 = vector.broadcast %mul3A_378 : i32 to vector<16xi32>
    %mul3A_380 = arith.muli %gather3A_375, %mul3A_379 : vector<16xi32>
    %sub3A_381 = arith.constant 3 : i32
    %sub3A_382 = vector.broadcast %sub3A_381 : i32 to vector<16xi32>
    %sub3A_383 = arith.subi %mul3A_380, %sub3A_382 : vector<16xi32>
    %shift_right_logical3A_384 = arith.shrui %get3A_377, %sub3A_383 : vector<16xi32>
    %and3A_385 = arith.constant 7 : i32
    %and3A_386 = vector.broadcast %and3A_385 : i32 to vector<16xi32>
    %and3A_387 = arith.andi %shift_right_logical3A_384, %and3A_386 : vector<16xi32>
    %mul3A_388 = arith.constant 128 : i32
    %mul3A_389 = vector.broadcast %mul3A_388 : i32 to vector<16xi32>
    %mul3A_390 = arith.muli %and3A_387, %mul3A_389 : vector<16xi32>
    %get3A_391 = arith.constant 208 : index
    %get3A_392 = tpu.vector_load %arg6[%get3A_391] {strides = array<i32>} : memref<1536xi32, #tpu.memory_space<vmem>>, vector<16xi32>,
    %add3A_393 = arith.addi %mul3A_390, %get3A_392 : vector<16xi32>
    %swap3A_394 = arith.constant 1 : i32
    %swap3A_395 = arith.index_cast %swap3A_394 : i32 to index
    %swap3A_396 = arith.constant 80 : index
    %swap3A_397 = tpu.vector_load %arg8[%swap3A_395, %swap3A_396] {strides = array<i32>} : memref<4x128xi32, #tpu.memory_space<vmem>>, vector<16xi32>,
    tpu.vector_store %arg8[%swap3A_395, %swap3A_396], %add3A_393 {strides = array<i32>} : memref<4x128xi32, #tpu.memory_space<vmem>>, vector<16xi32>,
    %get3A_398 = arith.constant 736 : index
    %get3A_399 = tpu.vector_load %arg6[%get3A_398] {strides = array<i32>} : memref<1536xi32, #tpu.memory_space<vmem>>, vector<16xi32>,
    %gather3A_400 = tpu.vector_load_idx %arg7[%get3A_399] : memref<4096xi32, #tpu.memory_space<vmem>>[vector<16xi32>], vector<16xi32>,
    %get3A_401 = arith.constant 1248 : index
    %get3A_402 = tpu.vector_load %arg6[%get3A_401] {strides = array<i32>} : memref<1536xi32, #tpu.memory_space<vmem>>, vector<16xi32>,
    %mul3A_403 = arith.constant 3 : i32
    %mul3A_404 = vector.broadcast %mul3A_403 : i32 to vector<16xi32>
    %mul3A_405 = arith.muli %gather3A_400, %mul3A_404 : vector<16xi32>
    %sub3A_406 = arith.constant 3 : i32
    %sub3A_407 = vector.broadcast %sub3A_406 : i32 to vector<16xi32>
    %sub3A_408 = arith.subi %mul3A_405, %sub3A_407 : vector<16xi32>
    %shift_right_logical3A_409 = arith.shrui %get3A_402, %sub3A_408 : vector<16xi32>
    %and3A_410 = arith.constant 7 : i32
    %and3A_411 = vector.broadcast %and3A_410 : i32 to vector<16xi32>
    %and3A_412 = arith.andi %shift_right_logical3A_409, %and3A_411 : vector<16xi32>
    %mul3A_413 = arith.constant 128 : i32
    %mul3A_414 = vector.broadcast %mul3A_413 : i32 to vector<16xi32>
    %mul3A_415 = arith.muli %and3A_412, %mul3A_414 : vector<16xi32>
    %get3A_416 = arith.constant 224 : index
    %get3A_417 = tpu.vector_load %arg6[%get3A_416] {strides = array<i32>} : memref<1536xi32, #tpu.memory_space<vmem>>, vector<16xi32>,
    %add3A_418 = arith.addi %mul3A_415, %get3A_417 : vector<16xi32>
    %swap3A_419 = arith.constant 1 : i32
    %swap3A_420 = arith.index_cast %swap3A_419 : i32 to index
    %swap3A_421 = arith.constant 96 : index
    %swap3A_422 = tpu.vector_load %arg8[%swap3A_420, %swap3A_421] {strides = array<i32>} : memref<4x128xi32, #tpu.memory_space<vmem>>, vector<16xi32>,
    tpu.vector_store %arg8[%swap3A_420, %swap3A_421], %add3A_418 {strides = array<i32>} : memref<4x128xi32, #tpu.memory_space<vmem>>, vector<16xi32>,
    %get3A_423 = arith.constant 752 : index
    %get3A_424 = tpu.vector_load %arg6[%get3A_423] {strides = array<i32>} : memref<1536xi32, #tpu.memory_space<vmem>>, vector<16xi32>,
    %gather3A_425 = tpu.vector_load_idx %arg7[%get3A_424] : memref<4096xi32, #tpu.memory_space<vmem>>[vector<16xi32>], vector<16xi32>,
    %get3A_426 = arith.constant 1264 : index
    %get3A_427 = tpu.vector_load %arg6[%get3A_426] {strides = array<i32>} : memref<1536xi32, #tpu.memory_space<vmem>>, vector<16xi32>,
    %mul3A_428 = arith.constant 3 : i32
    %mul3A_429 = vector.broadcast %mul3A_428 : i32 to vector<16xi32>
    %mul3A_430 = arith.muli %gather3A_425, %mul3A_429 : vector<16xi32>
    %sub3A_431 = arith.constant 3 : i32
    %sub3A_432 = vector.broadcast %sub3A_431 : i32 to vector<16xi32>
    %sub3A_433 = arith.subi %mul3A_430, %sub3A_432 : vector<16xi32>
    %shift_right_logical3A_434 = arith.shrui %get3A_427, %sub3A_433 : vector<16xi32>
    %and3A_435 = arith.constant 7 : i32
    %and3A_436 = vector.broadcast %and3A_435 : i32 to vector<16xi32>
    %and3A_437 = arith.andi %shift_right_logical3A_434, %and3A_436 : vector<16xi32>
    %mul3A_438 = arith.constant 128 : i32
    %mul3A_439 = vector.broadcast %mul3A_438 : i32 to vector<16xi32>
    %mul3A_440 = arith.muli %and3A_437, %mul3A_439 : vector<16xi32>
    %get3A_441 = arith.constant 240 : index
    %get3A_442 = tpu.vector_load %arg6[%get3A_441] {strides = array<i32>} : memref<1536xi32, #tpu.memory_space<vmem>>, vector<16xi32>,
    %add3A_443 = arith.addi %mul3A_440, %get3A_442 : vector<16xi32>
    %swap3A_444 = arith.constant 1 : i32
    %swap3A_445 = arith.index_cast %swap3A_444 : i32 to index
    %swap3A_446 = arith.constant 112 : index
    %swap3A_447 = tpu.vector_load %arg8[%swap3A_445, %swap3A_446] {strides = array<i32>} : memref<4x128xi32, #tpu.memory_space<vmem>>, vector<16xi32>,
    tpu.vector_store %arg8[%swap3A_445, %swap3A_446], %add3A_443 {strides = array<i32>} : memref<4x128xi32, #tpu.memory_space<vmem>>, vector<16xi32>,
    %dma_start3A_448 = arith.constant 1 : i32
    %dma_start3A_449 = arith.constant 1 : i32
    %dma_start3A_450 = arith.constant 0 : i32
    %dma_start3A_451 = tpu.memref_slice %arg9[%dma_start3A_449, %dma_start3A_450] : memref<4x128xi32, #tpu.memory_space<vmem>> -> memref<1x128xi32, #tpu.memory_space<vmem>>
    %dma_start3A_452 = tpu.memref_squeeze %dma_start3A_451 : memref<1x128xi32, #tpu.memory_space<vmem>> -> memref<128xi32, #tpu.memory_space<vmem>>
    %dma_start3A_453 = arith.constant 0 : i32
    %dma_start3A_454 = tpu.memref_slice %arg8[%dma_start3A_448, %dma_start3A_453] : memref<4x128xi32, #tpu.memory_space<vmem>> -> memref<1x128xi32, #tpu.memory_space<vmem>>
    %dma_start3A_455 = tpu.memref_squeeze %dma_start3A_454 : memref<1x128xi32, #tpu.memory_space<vmem>> -> memref<128xi32, #tpu.memory_space<vmem>>
    %dma_start3A_456 = arith.constant 0 : i32
    %dma_start3A_457 = tpu.memref_slice %arg3[%dma_start3A_456] : memref<524288xi32, #tpu.memory_space<hbm>> -> memref<524288xi32, #tpu.memory_space<hbm>>
    tpu.enqueue_indirect_dma source(%dma_start3A_457 : memref<524288xi32, #tpu.memory_space<hbm>>) target(%dma_start3A_452 : memref<128xi32, #tpu.memory_space<vmem>>) offsets(%dma_start3A_455 : memref<128xi32, #tpu.memory_space<vmem>>) semaphore(%arg14 : memref<!tpu.dma_semaphore, #tpu.memory_space<semaphore_mem>>)
    %get3A_458 = arith.constant 768 : index
    %get3A_459 = tpu.vector_load %arg6[%get3A_458] {strides = array<i32>} : memref<1536xi32, #tpu.memory_space<vmem>>, vector<16xi32>,
    %gather3A_460 = tpu.vector_load_idx %arg7[%get3A_459] : memref<4096xi32, #tpu.memory_space<vmem>>[vector<16xi32>], vector<16xi32>,
    %get3A_461 = arith.constant 1280 : index
    %get3A_462 = tpu.vector_load %arg6[%get3A_461] {strides = array<i32>} : memref<1536xi32, #tpu.memory_space<vmem>>, vector<16xi32>,
    %mul3A_463 = arith.constant 3 : i32
    %mul3A_464 = vector.broadcast %mul3A_463 : i32 to vector<16xi32>
    %mul3A_465 = arith.muli %gather3A_460, %mul3A_464 : vector<16xi32>
    %sub3A_466 = arith.constant 3 : i32
    %sub3A_467 = vector.broadcast %sub3A_466 : i32 to vector<16xi32>
    %sub3A_468 = arith.subi %mul3A_465, %sub3A_467 : vector<16xi32>
    %shift_right_logical3A_469 = arith.shrui %get3A_462, %sub3A_468 : vector<16xi32>
    %and3A_470 = arith.constant 7 : i32
    %and3A_471 = vector.broadcast %and3A_470 : i32 to vector<16xi32>
    %and3A_472 = arith.andi %shift_right_logical3A_469, %and3A_471 : vector<16xi32>
    %mul3A_473 = arith.constant 128 : i32
    %mul3A_474 = vector.broadcast %mul3A_473 : i32 to vector<16xi32>
    %mul3A_475 = arith.muli %and3A_472, %mul3A_474 : vector<16xi32>
    %get3A_476 = arith.constant 256 : index
    %get3A_477 = tpu.vector_load %arg6[%get3A_476] {strides = array<i32>} : memref<1536xi32, #tpu.memory_space<vmem>>, vector<16xi32>,
    %add3A_478 = arith.addi %mul3A_475, %get3A_477 : vector<16xi32>
    %swap3A_479 = arith.constant 2 : i32
    %swap3A_480 = arith.index_cast %swap3A_479 : i32 to index
    %swap3A_481 = arith.constant 0 : index
    %swap3A_482 = tpu.vector_load %arg8[%swap3A_480, %swap3A_481] {strides = array<i32>} : memref<4x128xi32, #tpu.memory_space<vmem>>, vector<16xi32>,
    tpu.vector_store %arg8[%swap3A_480, %swap3A_481], %add3A_478 {strides = array<i32>} : memref<4x128xi32, #tpu.memory_space<vmem>>, vector<16xi32>,
    %get3A_483 = arith.constant 784 : index
    %get3A_484 = tpu.vector_load %arg6[%get3A_483] {strides = array<i32>} : memref<1536xi32, #tpu.memory_space<vmem>>, vector<16xi32>,
    %gather3A_485 = tpu.vector_load_idx %arg7[%get3A_484] : memref<4096xi32, #tpu.memory_space<vmem>>[vector<16xi32>], vector<16xi32>,
    %get3A_486 = arith.constant 1296 : index
    %get3A_487 = tpu.vector_load %arg6[%get3A_486] {strides = array<i32>} : memref<1536xi32, #tpu.memory_space<vmem>>, vector<16xi32>,
    %mul3A_488 = arith.constant 3 : i32
    %mul3A_489 = vector.broadcast %mul3A_488 : i32 to vector<16xi32>
    %mul3A_490 = arith.muli %gather3A_485, %mul3A_489 : vector<16xi32>
    %sub3A_491 = arith.constant 3 : i32
    %sub3A_492 = vector.broadcast %sub3A_491 : i32 to vector<16xi32>
    %sub3A_493 = arith.subi %mul3A_490, %sub3A_492 : vector<16xi32>
    %shift_right_logical3A_494 = arith.shrui %get3A_487, %sub3A_493 : vector<16xi32>
    %and3A_495 = arith.constant 7 : i32
    %and3A_496 = vector.broadcast %and3A_495 : i32 to vector<16xi32>
    %and3A_497 = arith.andi %shift_right_logical3A_494, %and3A_496 : vector<16xi32>
    %mul3A_498 = arith.constant 128 : i32
    %mul3A_499 = vector.broadcast %mul3A_498 : i32 to vector<16xi32>
    %mul3A_500 = arith.muli %and3A_497, %mul3A_499 : vector<16xi32>
    %get3A_501 = arith.constant 272 : index
    %get3A_502 = tpu.vector_load %arg6[%get3A_501] {strides = array<i32>} : memref<1536xi32, #tpu.memory_space<vmem>>, vector<16xi32>,
    %add3A_503 = arith.addi %mul3A_500, %get3A_502 : vector<16xi32>
    %swap3A_504 = arith.constant 2 : i32
    %swap3A_505 = arith.index_cast %swap3A_504 : i32 to index
    %swap3A_506 = arith.constant 16 : index
    %swap3A_507 = tpu.vector_load %arg8[%swap3A_505, %swap3A_506] {strides = array<i32>} : memref<4x128xi32, #tpu.memory_space<vmem>>, vector<16xi32>,
    tpu.vector_store %arg8[%swap3A_505, %swap3A_506], %add3A_503 {strides = array<i32>} : memref<4x128xi32, #tpu.memory_space<vmem>>, vector<16xi32>,
    %get3A_508 = arith.constant 800 : index
    %get3A_509 = tpu.vector_load %arg6[%get3A_508] {strides = array<i32>} : memref<1536xi32, #tpu.memory_space<vmem>>, vector<16xi32>,
    %gather3A_510 = tpu.vector_load_idx %arg7[%get3A_509] : memref<4096xi32, #tpu.memory_space<vmem>>[vector<16xi32>], vector<16xi32>,
    %get3A_511 = arith.constant 1312 : index
    %get3A_512 = tpu.vector_load %arg6[%get3A_511] {strides = array<i32>} : memref<1536xi32, #tpu.memory_space<vmem>>, vector<16xi32>,
    %mul3A_513 = arith.constant 3 : i32
    %mul3A_514 = vector.broadcast %mul3A_513 : i32 to vector<16xi32>
    %mul3A_515 = arith.muli %gather3A_510, %mul3A_514 : vector<16xi32>
    %sub3A_516 = arith.constant 3 : i32
    %sub3A_517 = vector.broadcast %sub3A_516 : i32 to vector<16xi32>
    %sub3A_518 = arith.subi %mul3A_515, %sub3A_517 : vector<16xi32>
    %shift_right_logical3A_519 = arith.shrui %get3A_512, %sub3A_518 : vector<16xi32>
    %and3A_520 = arith.constant 7 : i32
    %and3A_521 = vector.broadcast %and3A_520 : i32 to vector<16xi32>
    %and3A_522 = arith.andi %shift_right_logical3A_519, %and3A_521 : vector<16xi32>
    %mul3A_523 = arith.constant 128 : i32
    %mul3A_524 = vector.broadcast %mul3A_523 : i32 to vector<16xi32>
    %mul3A_525 = arith.muli %and3A_522, %mul3A_524 : vector<16xi32>
    %get3A_526 = arith.constant 288 : index
    %get3A_527 = tpu.vector_load %arg6[%get3A_526] {strides = array<i32>} : memref<1536xi32, #tpu.memory_space<vmem>>, vector<16xi32>,
    %add3A_528 = arith.addi %mul3A_525, %get3A_527 : vector<16xi32>
    %swap3A_529 = arith.constant 2 : i32
    %swap3A_530 = arith.index_cast %swap3A_529 : i32 to index
    %swap3A_531 = arith.constant 32 : index
    %swap3A_532 = tpu.vector_load %arg8[%swap3A_530, %swap3A_531] {strides = array<i32>} : memref<4x128xi32, #tpu.memory_space<vmem>>, vector<16xi32>,
    tpu.vector_store %arg8[%swap3A_530, %swap3A_531], %add3A_528 {strides = array<i32>} : memref<4x128xi32, #tpu.memory_space<vmem>>, vector<16xi32>,
    %get3A_533 = arith.constant 816 : index
    %get3A_534 = tpu.vector_load %arg6[%get3A_533] {strides = array<i32>} : memref<1536xi32, #tpu.memory_space<vmem>>, vector<16xi32>,
    %gather3A_535 = tpu.vector_load_idx %arg7[%get3A_534] : memref<4096xi32, #tpu.memory_space<vmem>>[vector<16xi32>], vector<16xi32>,
    %get3A_536 = arith.constant 1328 : index
    %get3A_537 = tpu.vector_load %arg6[%get3A_536] {strides = array<i32>} : memref<1536xi32, #tpu.memory_space<vmem>>, vector<16xi32>,
    %mul3A_538 = arith.constant 3 : i32
    %mul3A_539 = vector.broadcast %mul3A_538 : i32 to vector<16xi32>
    %mul3A_540 = arith.muli %gather3A_535, %mul3A_539 : vector<16xi32>
    %sub3A_541 = arith.constant 3 : i32
    %sub3A_542 = vector.broadcast %sub3A_541 : i32 to vector<16xi32>
    %sub3A_543 = arith.subi %mul3A_540, %sub3A_542 : vector<16xi32>
    %shift_right_logical3A_544 = arith.shrui %get3A_537, %sub3A_543 : vector<16xi32>
    %and3A_545 = arith.constant 7 : i32
    %and3A_546 = vector.broadcast %and3A_545 : i32 to vector<16xi32>
    %and3A_547 = arith.andi %shift_right_logical3A_544, %and3A_546 : vector<16xi32>
    %mul3A_548 = arith.constant 128 : i32
    %mul3A_549 = vector.broadcast %mul3A_548 : i32 to vector<16xi32>
    %mul3A_550 = arith.muli %and3A_547, %mul3A_549 : vector<16xi32>
    %get3A_551 = arith.constant 304 : index
    %get3A_552 = tpu.vector_load %arg6[%get3A_551] {strides = array<i32>} : memref<1536xi32, #tpu.memory_space<vmem>>, vector<16xi32>,
    %add3A_553 = arith.addi %mul3A_550, %get3A_552 : vector<16xi32>
    %swap3A_554 = arith.constant 2 : i32
    %swap3A_555 = arith.index_cast %swap3A_554 : i32 to index
    %swap3A_556 = arith.constant 48 : index
    %swap3A_557 = tpu.vector_load %arg8[%swap3A_555, %swap3A_556] {strides = array<i32>} : memref<4x128xi32, #tpu.memory_space<vmem>>, vector<16xi32>,
    tpu.vector_store %arg8[%swap3A_555, %swap3A_556], %add3A_553 {strides = array<i32>} : memref<4x128xi32, #tpu.memory_space<vmem>>, vector<16xi32>,
    %get3A_558 = arith.constant 832 : index
    %get3A_559 = tpu.vector_load %arg6[%get3A_558] {strides = array<i32>} : memref<1536xi32, #tpu.memory_space<vmem>>, vector<16xi32>,
    %gather3A_560 = tpu.vector_load_idx %arg7[%get3A_559] : memref<4096xi32, #tpu.memory_space<vmem>>[vector<16xi32>], vector<16xi32>,
    %get3A_561 = arith.constant 1344 : index
    %get3A_562 = tpu.vector_load %arg6[%get3A_561] {strides = array<i32>} : memref<1536xi32, #tpu.memory_space<vmem>>, vector<16xi32>,
    %mul3A_563 = arith.constant 3 : i32
    %mul3A_564 = vector.broadcast %mul3A_563 : i32 to vector<16xi32>
    %mul3A_565 = arith.muli %gather3A_560, %mul3A_564 : vector<16xi32>
    %sub3A_566 = arith.constant 3 : i32
    %sub3A_567 = vector.broadcast %sub3A_566 : i32 to vector<16xi32>
    %sub3A_568 = arith.subi %mul3A_565, %sub3A_567 : vector<16xi32>
    %shift_right_logical3A_569 = arith.shrui %get3A_562, %sub3A_568 : vector<16xi32>
    %and3A_570 = arith.constant 7 : i32
    %and3A_571 = vector.broadcast %and3A_570 : i32 to vector<16xi32>
    %and3A_572 = arith.andi %shift_right_logical3A_569, %and3A_571 : vector<16xi32>
    %mul3A_573 = arith.constant 128 : i32
    %mul3A_574 = vector.broadcast %mul3A_573 : i32 to vector<16xi32>
    %mul3A_575 = arith.muli %and3A_572, %mul3A_574 : vector<16xi32>
    %get3A_576 = arith.constant 320 : index
    %get3A_577 = tpu.vector_load %arg6[%get3A_576] {strides = array<i32>} : memref<1536xi32, #tpu.memory_space<vmem>>, vector<16xi32>,
    %add3A_578 = arith.addi %mul3A_575, %get3A_577 : vector<16xi32>
    %swap3A_579 = arith.constant 2 : i32
    %swap3A_580 = arith.index_cast %swap3A_579 : i32 to index
    %swap3A_581 = arith.constant 64 : index
    %swap3A_582 = tpu.vector_load %arg8[%swap3A_580, %swap3A_581] {strides = array<i32>} : memref<4x128xi32, #tpu.memory_space<vmem>>, vector<16xi32>,
    tpu.vector_store %arg8[%swap3A_580, %swap3A_581], %add3A_578 {strides = array<i32>} : memref<4x128xi32, #tpu.memory_space<vmem>>, vector<16xi32>,
    %get3A_583 = arith.constant 848 : index
    %get3A_584 = tpu.vector_load %arg6[%get3A_583] {strides = array<i32>} : memref<1536xi32, #tpu.memory_space<vmem>>, vector<16xi32>,
    %gather3A_585 = tpu.vector_load_idx %arg7[%get3A_584] : memref<4096xi32, #tpu.memory_space<vmem>>[vector<16xi32>], vector<16xi32>,
    %get3A_586 = arith.constant 1360 : index
    %get3A_587 = tpu.vector_load %arg6[%get3A_586] {strides = array<i32>} : memref<1536xi32, #tpu.memory_space<vmem>>, vector<16xi32>,
    %mul3A_588 = arith.constant 3 : i32
    %mul3A_589 = vector.broadcast %mul3A_588 : i32 to vector<16xi32>
    %mul3A_590 = arith.muli %gather3A_585, %mul3A_589 : vector<16xi32>
    %sub3A_591 = arith.constant 3 : i32
    %sub3A_592 = vector.broadcast %sub3A_591 : i32 to vector<16xi32>
    %sub3A_593 = arith.subi %mul3A_590, %sub3A_592 : vector<16xi32>
    %shift_right_logical3A_594 = arith.shrui %get3A_587, %sub3A_593 : vector<16xi32>
    %and3A_595 = arith.constant 7 : i32
    %and3A_596 = vector.broadcast %and3A_595 : i32 to vector<16xi32>
    %and3A_597 = arith.andi %shift_right_logical3A_594, %and3A_596 : vector<16xi32>
    %mul3A_598 = arith.constant 128 : i32
    %mul3A_599 = vector.broadcast %mul3A_598 : i32 to vector<16xi32>
    %mul3A_600 = arith.muli %and3A_597, %mul3A_599 : vector<16xi32>
    %get3A_601 = arith.constant 336 : index
    %get3A_602 = tpu.vector_load %arg6[%get3A_601] {strides = array<i32>} : memref<1536xi32, #tpu.memory_space<vmem>>, vector<16xi32>,
    %add3A_603 = arith.addi %mul3A_600, %get3A_602 : vector<16xi32>
    %swap3A_604 = arith.constant 2 : i32
    %swap3A_605 = arith.index_cast %swap3A_604 : i32 to index
    %swap3A_606 = arith.constant 80 : index
    %swap3A_607 = tpu.vector_load %arg8[%swap3A_605, %swap3A_606] {strides = array<i32>} : memref<4x128xi32, #tpu.memory_space<vmem>>, vector<16xi32>,
    tpu.vector_store %arg8[%swap3A_605, %swap3A_606], %add3A_603 {strides = array<i32>} : memref<4x128xi32, #tpu.memory_space<vmem>>, vector<16xi32>,
    %get3A_608 = arith.constant 864 : index
    %get3A_609 = tpu.vector_load %arg6[%get3A_608] {strides = array<i32>} : memref<1536xi32, #tpu.memory_space<vmem>>, vector<16xi32>,
    %gather3A_610 = tpu.vector_load_idx %arg7[%get3A_609] : memref<4096xi32, #tpu.memory_space<vmem>>[vector<16xi32>], vector<16xi32>,
    %get3A_611 = arith.constant 1376 : index
    %get3A_612 = tpu.vector_load %arg6[%get3A_611] {strides = array<i32>} : memref<1536xi32, #tpu.memory_space<vmem>>, vector<16xi32>,
    %mul3A_613 = arith.constant 3 : i32
    %mul3A_614 = vector.broadcast %mul3A_613 : i32 to vector<16xi32>
    %mul3A_615 = arith.muli %gather3A_610, %mul3A_614 : vector<16xi32>
    %sub3A_616 = arith.constant 3 : i32
    %sub3A_617 = vector.broadcast %sub3A_616 : i32 to vector<16xi32>
    %sub3A_618 = arith.subi %mul3A_615, %sub3A_617 : vector<16xi32>
    %shift_right_logical3A_619 = arith.shrui %get3A_612, %sub3A_618 : vector<16xi32>
    %and3A_620 = arith.constant 7 : i32
    %and3A_621 = vector.broadcast %and3A_620 : i32 to vector<16xi32>
    %and3A_622 = arith.andi %shift_right_logical3A_619, %and3A_621 : vector<16xi32>
    %mul3A_623 = arith.constant 128 : i32
    %mul3A_624 = vector.broadcast %mul3A_623 : i32 to vector<16xi32>
    %mul3A_625 = arith.muli %and3A_622, %mul3A_624 : vector<16xi32>
    %get3A_626 = arith.constant 352 : index
    %get3A_627 = tpu.vector_load %arg6[%get3A_626] {strides = array<i32>} : memref<1536xi32, #tpu.memory_space<vmem>>, vector<16xi32>,
    %add3A_628 = arith.addi %mul3A_625, %get3A_627 : vector<16xi32>
    %swap3A_629 = arith.constant 2 : i32
    %swap3A_630 = arith.index_cast %swap3A_629 : i32 to index
    %swap3A_631 = arith.constant 96 : index
    %swap3A_632 = tpu.vector_load %arg8[%swap3A_630, %swap3A_631] {strides = array<i32>} : memref<4x128xi32, #tpu.memory_space<vmem>>, vector<16xi32>,
    tpu.vector_store %arg8[%swap3A_630, %swap3A_631], %add3A_628 {strides = array<i32>} : memref<4x128xi32, #tpu.memory_space<vmem>>, vector<16xi32>,
    %get3A_633 = arith.constant 880 : index
    %get3A_634 = tpu.vector_load %arg6[%get3A_633] {strides = array<i32>} : memref<1536xi32, #tpu.memory_space<vmem>>, vector<16xi32>,
    %gather3A_635 = tpu.vector_load_idx %arg7[%get3A_634] : memref<4096xi32, #tpu.memory_space<vmem>>[vector<16xi32>], vector<16xi32>,
    %get3A_636 = arith.constant 1392 : index
    %get3A_637 = tpu.vector_load %arg6[%get3A_636] {strides = array<i32>} : memref<1536xi32, #tpu.memory_space<vmem>>, vector<16xi32>,
    %mul3A_638 = arith.constant 3 : i32
    %mul3A_639 = vector.broadcast %mul3A_638 : i32 to vector<16xi32>
    %mul3A_640 = arith.muli %gather3A_635, %mul3A_639 : vector<16xi32>
    %sub3A_641 = arith.constant 3 : i32
    %sub3A_642 = vector.broadcast %sub3A_641 : i32 to vector<16xi32>
    %sub3A_643 = arith.subi %mul3A_640, %sub3A_642 : vector<16xi32>
    %shift_right_logical3A_644 = arith.shrui %get3A_637, %sub3A_643 : vector<16xi32>
    %and3A_645 = arith.constant 7 : i32
    %and3A_646 = vector.broadcast %and3A_645 : i32 to vector<16xi32>
    %and3A_647 = arith.andi %shift_right_logical3A_644, %and3A_646 : vector<16xi32>
    %mul3A_648 = arith.constant 128 : i32
    %mul3A_649 = vector.broadcast %mul3A_648 : i32 to vector<16xi32>
    %mul3A_650 = arith.muli %and3A_647, %mul3A_649 : vector<16xi32>
    %get3A_651 = arith.constant 368 : index
    %get3A_652 = tpu.vector_load %arg6[%get3A_651] {strides = array<i32>} : memref<1536xi32, #tpu.memory_space<vmem>>, vector<16xi32>,
    %add3A_653 = arith.addi %mul3A_650, %get3A_652 : vector<16xi32>
    %swap3A_654 = arith.constant 2 : i32
    %swap3A_655 = arith.index_cast %swap3A_654 : i32 to index
    %swap3A_656 = arith.constant 112 : index
    %swap3A_657 = tpu.vector_load %arg8[%swap3A_655, %swap3A_656] {strides = array<i32>} : memref<4x128xi32, #tpu.memory_space<vmem>>, vector<16xi32>,
    tpu.vector_store %arg8[%swap3A_655, %swap3A_656], %add3A_653 {strides = array<i32>} : memref<4x128xi32, #tpu.memory_space<vmem>>, vector<16xi32>,
    %dma_start3A_658 = arith.constant 2 : i32
    %dma_start3A_659 = arith.constant 2 : i32
    %dma_start3A_660 = arith.constant 0 : i32
    %dma_start3A_661 = tpu.memref_slice %arg9[%dma_start3A_659, %dma_start3A_660] : memref<4x128xi32, #tpu.memory_space<vmem>> -> memref<1x128xi32, #tpu.memory_space<vmem>>
    %dma_start3A_662 = tpu.memref_squeeze %dma_start3A_661 : memref<1x128xi32, #tpu.memory_space<vmem>> -> memref<128xi32, #tpu.memory_space<vmem>>
    %dma_start3A_663 = arith.constant 0 : i32
    %dma_start3A_664 = tpu.memref_slice %arg8[%dma_start3A_658, %dma_start3A_663] : memref<4x128xi32, #tpu.memory_space<vmem>> -> memref<1x128xi32, #tpu.memory_space<vmem>>
    %dma_start3A_665 = tpu.memref_squeeze %dma_start3A_664 : memref<1x128xi32, #tpu.memory_space<vmem>> -> memref<128xi32, #tpu.memory_space<vmem>>
    %dma_start3A_666 = arith.constant 0 : i32
    %dma_start3A_667 = tpu.memref_slice %arg3[%dma_start3A_666] : memref<524288xi32, #tpu.memory_space<hbm>> -> memref<524288xi32, #tpu.memory_space<hbm>>
    tpu.enqueue_indirect_dma source(%dma_start3A_667 : memref<524288xi32, #tpu.memory_space<hbm>>) target(%dma_start3A_662 : memref<128xi32, #tpu.memory_space<vmem>>) offsets(%dma_start3A_665 : memref<128xi32, #tpu.memory_space<vmem>>) semaphore(%arg15 : memref<!tpu.dma_semaphore, #tpu.memory_space<semaphore_mem>>)
    %get3A_668 = arith.constant 896 : index
    %get3A_669 = tpu.vector_load %arg6[%get3A_668] {strides = array<i32>} : memref<1536xi32, #tpu.memory_space<vmem>>, vector<16xi32>,
    %gather3A_670 = tpu.vector_load_idx %arg7[%get3A_669] : memref<4096xi32, #tpu.memory_space<vmem>>[vector<16xi32>], vector<16xi32>,
    %get3A_671 = arith.constant 1408 : index
    %get3A_672 = tpu.vector_load %arg6[%get3A_671] {strides = array<i32>} : memref<1536xi32, #tpu.memory_space<vmem>>, vector<16xi32>,
    %mul3A_673 = arith.constant 3 : i32
    %mul3A_674 = vector.broadcast %mul3A_673 : i32 to vector<16xi32>
    %mul3A_675 = arith.muli %gather3A_670, %mul3A_674 : vector<16xi32>
    %sub3A_676 = arith.constant 3 : i32
    %sub3A_677 = vector.broadcast %sub3A_676 : i32 to vector<16xi32>
    %sub3A_678 = arith.subi %mul3A_675, %sub3A_677 : vector<16xi32>
    %shift_right_logical3A_679 = arith.shrui %get3A_672, %sub3A_678 : vector<16xi32>
    %and3A_680 = arith.constant 7 : i32
    %and3A_681 = vector.broadcast %and3A_680 : i32 to vector<16xi32>
    %and3A_682 = arith.andi %shift_right_logical3A_679, %and3A_681 : vector<16xi32>
    %mul3A_683 = arith.constant 128 : i32
    %mul3A_684 = vector.broadcast %mul3A_683 : i32 to vector<16xi32>
    %mul3A_685 = arith.muli %and3A_682, %mul3A_684 : vector<16xi32>
    %get3A_686 = arith.constant 384 : index
    %get3A_687 = tpu.vector_load %arg6[%get3A_686] {strides = array<i32>} : memref<1536xi32, #tpu.memory_space<vmem>>, vector<16xi32>,
    %add3A_688 = arith.addi %mul3A_685, %get3A_687 : vector<16xi32>
    %swap3A_689 = arith.constant 3 : i32
    %swap3A_690 = arith.index_cast %swap3A_689 : i32 to index
    %swap3A_691 = arith.constant 0 : index
    %swap3A_692 = tpu.vector_load %arg8[%swap3A_690, %swap3A_691] {strides = array<i32>} : memref<4x128xi32, #tpu.memory_space<vmem>>, vector<16xi32>,
    tpu.vector_store %arg8[%swap3A_690, %swap3A_691], %add3A_688 {strides = array<i32>} : memref<4x128xi32, #tpu.memory_space<vmem>>, vector<16xi32>,
    %get3A_693 = arith.constant 912 : index
    %get3A_694 = tpu.vector_load %arg6[%get3A_693] {strides = array<i32>} : memref<1536xi32, #tpu.memory_space<vmem>>, vector<16xi32>,
    %gather3A_695 = tpu.vector_load_idx %arg7[%get3A_694] : memref<4096xi32, #tpu.memory_space<vmem>>[vector<16xi32>], vector<16xi32>,
    %get3A_696 = arith.constant 1424 : index
    %get3A_697 = tpu.vector_load %arg6[%get3A_696] {strides = array<i32>} : memref<1536xi32, #tpu.memory_space<vmem>>, vector<16xi32>,
    %mul3A_698 = arith.constant 3 : i32
    %mul3A_699 = vector.broadcast %mul3A_698 : i32 to vector<16xi32>
    %mul3A_700 = arith.muli %gather3A_695, %mul3A_699 : vector<16xi32>
    %sub3A_701 = arith.constant 3 : i32
    %sub3A_702 = vector.broadcast %sub3A_701 : i32 to vector<16xi32>
    %sub3A_703 = arith.subi %mul3A_700, %sub3A_702 : vector<16xi32>
    %shift_right_logical3A_704 = arith.shrui %get3A_697, %sub3A_703 : vector<16xi32>
    %and3A_705 = arith.constant 7 : i32
    %and3A_706 = vector.broadcast %and3A_705 : i32 to vector<16xi32>
    %and3A_707 = arith.andi %shift_right_logical3A_704, %and3A_706 : vector<16xi32>
    %mul3A_708 = arith.constant 128 : i32
    %mul3A_709 = vector.broadcast %mul3A_708 : i32 to vector<16xi32>
    %mul3A_710 = arith.muli %and3A_707, %mul3A_709 : vector<16xi32>
    %get3A_711 = arith.constant 400 : index
    %get3A_712 = tpu.vector_load %arg6[%get3A_711] {strides = array<i32>} : memref<1536xi32, #tpu.memory_space<vmem>>, vector<16xi32>,
    %add3A_713 = arith.addi %mul3A_710, %get3A_712 : vector<16xi32>
    %swap3A_714 = arith.constant 3 : i32
    %swap3A_715 = arith.index_cast %swap3A_714 : i32 to index
    %swap3A_716 = arith.constant 16 : index
    %swap3A_717 = tpu.vector_load %arg8[%swap3A_715, %swap3A_716] {strides = array<i32>} : memref<4x128xi32, #tpu.memory_space<vmem>>, vector<16xi32>,
    tpu.vector_store %arg8[%swap3A_715, %swap3A_716], %add3A_713 {strides = array<i32>} : memref<4x128xi32, #tpu.memory_space<vmem>>, vector<16xi32>,
    %get3A_718 = arith.constant 928 : index
    %get3A_719 = tpu.vector_load %arg6[%get3A_718] {strides = array<i32>} : memref<1536xi32, #tpu.memory_space<vmem>>, vector<16xi32>,
    %gather3A_720 = tpu.vector_load_idx %arg7[%get3A_719] : memref<4096xi32, #tpu.memory_space<vmem>>[vector<16xi32>], vector<16xi32>,
    %get3A_721 = arith.constant 1440 : index
    %get3A_722 = tpu.vector_load %arg6[%get3A_721] {strides = array<i32>} : memref<1536xi32, #tpu.memory_space<vmem>>, vector<16xi32>,
    %mul3A_723 = arith.constant 3 : i32
    %mul3A_724 = vector.broadcast %mul3A_723 : i32 to vector<16xi32>
    %mul3A_725 = arith.muli %gather3A_720, %mul3A_724 : vector<16xi32>
    %sub3A_726 = arith.constant 3 : i32
    %sub3A_727 = vector.broadcast %sub3A_726 : i32 to vector<16xi32>
    %sub3A_728 = arith.subi %mul3A_725, %sub3A_727 : vector<16xi32>
    %shift_right_logical3A_729 = arith.shrui %get3A_722, %sub3A_728 : vector<16xi32>
    %and3A_730 = arith.constant 7 : i32
    %and3A_731 = vector.broadcast %and3A_730 : i32 to vector<16xi32>
    %and3A_732 = arith.andi %shift_right_logical3A_729, %and3A_731 : vector<16xi32>
    %mul3A_733 = arith.constant 128 : i32
    %mul3A_734 = vector.broadcast %mul3A_733 : i32 to vector<16xi32>
    %mul3A_735 = arith.muli %and3A_732, %mul3A_734 : vector<16xi32>
    %get3A_736 = arith.constant 416 : index
    %get3A_737 = tpu.vector_load %arg6[%get3A_736] {strides = array<i32>} : memref<1536xi32, #tpu.memory_space<vmem>>, vector<16xi32>,
    %add3A_738 = arith.addi %mul3A_735, %get3A_737 : vector<16xi32>
    %swap3A_739 = arith.constant 3 : i32
    %swap3A_740 = arith.index_cast %swap3A_739 : i32 to index
    %swap3A_741 = arith.constant 32 : index
    %swap3A_742 = tpu.vector_load %arg8[%swap3A_740, %swap3A_741] {strides = array<i32>} : memref<4x128xi32, #tpu.memory_space<vmem>>, vector<16xi32>,
    tpu.vector_store %arg8[%swap3A_740, %swap3A_741], %add3A_738 {strides = array<i32>} : memref<4x128xi32, #tpu.memory_space<vmem>>, vector<16xi32>,
    %get3A_743 = arith.constant 944 : index
    %get3A_744 = tpu.vector_load %arg6[%get3A_743] {strides = array<i32>} : memref<1536xi32, #tpu.memory_space<vmem>>, vector<16xi32>,
    %gather3A_745 = tpu.vector_load_idx %arg7[%get3A_744] : memref<4096xi32, #tpu.memory_space<vmem>>[vector<16xi32>], vector<16xi32>,
    %get3A_746 = arith.constant 1456 : index
    %get3A_747 = tpu.vector_load %arg6[%get3A_746] {strides = array<i32>} : memref<1536xi32, #tpu.memory_space<vmem>>, vector<16xi32>,
    %mul3A_748 = arith.constant 3 : i32
    %mul3A_749 = vector.broadcast %mul3A_748 : i32 to vector<16xi32>
    %mul3A_750 = arith.muli %gather3A_745, %mul3A_749 : vector<16xi32>
    %sub3A_751 = arith.constant 3 : i32
    %sub3A_752 = vector.broadcast %sub3A_751 : i32 to vector<16xi32>
    %sub3A_753 = arith.subi %mul3A_750, %sub3A_752 : vector<16xi32>
    %shift_right_logical3A_754 = arith.shrui %get3A_747, %sub3A_753 : vector<16xi32>
    %and3A_755 = arith.constant 7 : i32
    %and3A_756 = vector.broadcast %and3A_755 : i32 to vector<16xi32>
    %and3A_757 = arith.andi %shift_right_logical3A_754, %and3A_756 : vector<16xi32>
    %mul3A_758 = arith.constant 128 : i32
    %mul3A_759 = vector.broadcast %mul3A_758 : i32 to vector<16xi32>
    %mul3A_760 = arith.muli %and3A_757, %mul3A_759 : vector<16xi32>
    %get3A_761 = arith.constant 432 : index
    %get3A_762 = tpu.vector_load %arg6[%get3A_761] {strides = array<i32>} : memref<1536xi32, #tpu.memory_space<vmem>>, vector<16xi32>,
    %add3A_763 = arith.addi %mul3A_760, %get3A_762 : vector<16xi32>
    %swap3A_764 = arith.constant 3 : i32
    %swap3A_765 = arith.index_cast %swap3A_764 : i32 to index
    %swap3A_766 = arith.constant 48 : index
    %swap3A_767 = tpu.vector_load %arg8[%swap3A_765, %swap3A_766] {strides = array<i32>} : memref<4x128xi32, #tpu.memory_space<vmem>>, vector<16xi32>,
    tpu.vector_store %arg8[%swap3A_765, %swap3A_766], %add3A_763 {strides = array<i32>} : memref<4x128xi32, #tpu.memory_space<vmem>>, vector<16xi32>,
    %get3A_768 = arith.constant 960 : index
    %get3A_769 = tpu.vector_load %arg6[%get3A_768] {strides = array<i32>} : memref<1536xi32, #tpu.memory_space<vmem>>, vector<16xi32>,
    %gather3A_770 = tpu.vector_load_idx %arg7[%get3A_769] : memref<4096xi32, #tpu.memory_space<vmem>>[vector<16xi32>], vector<16xi32>,
    %get3A_771 = arith.constant 1472 : index
    %get3A_772 = tpu.vector_load %arg6[%get3A_771] {strides = array<i32>} : memref<1536xi32, #tpu.memory_space<vmem>>, vector<16xi32>,
    %mul3A_773 = arith.constant 3 : i32
    %mul3A_774 = vector.broadcast %mul3A_773 : i32 to vector<16xi32>
    %mul3A_775 = arith.muli %gather3A_770, %mul3A_774 : vector<16xi32>
    %sub3A_776 = arith.constant 3 : i32
    %sub3A_777 = vector.broadcast %sub3A_776 : i32 to vector<16xi32>
    %sub3A_778 = arith.subi %mul3A_775, %sub3A_777 : vector<16xi32>
    %shift_right_logical3A_779 = arith.shrui %get3A_772, %sub3A_778 : vector<16xi32>
    %and3A_780 = arith.constant 7 : i32
    %and3A_781 = vector.broadcast %and3A_780 : i32 to vector<16xi32>
    %and3A_782 = arith.andi %shift_right_logical3A_779, %and3A_781 : vector<16xi32>
    %mul3A_783 = arith.constant 128 : i32
    %mul3A_784 = vector.broadcast %mul3A_783 : i32 to vector<16xi32>
    %mul3A_785 = arith.muli %and3A_782, %mul3A_784 : vector<16xi32>
    %get3A_786 = arith.constant 448 : index
    %get3A_787 = tpu.vector_load %arg6[%get3A_786] {strides = array<i32>} : memref<1536xi32, #tpu.memory_space<vmem>>, vector<16xi32>,
    %add3A_788 = arith.addi %mul3A_785, %get3A_787 : vector<16xi32>
    %swap3A_789 = arith.constant 3 : i32
    %swap3A_790 = arith.index_cast %swap3A_789 : i32 to index
    %swap3A_791 = arith.constant 64 : index
    %swap3A_792 = tpu.vector_load %arg8[%swap3A_790, %swap3A_791] {strides = array<i32>} : memref<4x128xi32, #tpu.memory_space<vmem>>, vector<16xi32>,
    tpu.vector_store %arg8[%swap3A_790, %swap3A_791], %add3A_788 {strides = array<i32>} : memref<4x128xi32, #tpu.memory_space<vmem>>, vector<16xi32>,
    %get3A_793 = arith.constant 976 : index
    %get3A_794 = tpu.vector_load %arg6[%get3A_793] {strides = array<i32>} : memref<1536xi32, #tpu.memory_space<vmem>>, vector<16xi32>,
    %gather3A_795 = tpu.vector_load_idx %arg7[%get3A_794] : memref<4096xi32, #tpu.memory_space<vmem>>[vector<16xi32>], vector<16xi32>,
    %get3A_796 = arith.constant 1488 : index
    %get3A_797 = tpu.vector_load %arg6[%get3A_796] {strides = array<i32>} : memref<1536xi32, #tpu.memory_space<vmem>>, vector<16xi32>,
    %mul3A_798 = arith.constant 3 : i32
    %mul3A_799 = vector.broadcast %mul3A_798 : i32 to vector<16xi32>
    %mul3A_800 = arith.muli %gather3A_795, %mul3A_799 : vector<16xi32>
    %sub3A_801 = arith.constant 3 : i32
    %sub3A_802 = vector.broadcast %sub3A_801 : i32 to vector<16xi32>
    %sub3A_803 = arith.subi %mul3A_800, %sub3A_802 : vector<16xi32>
    %shift_right_logical3A_804 = arith.shrui %get3A_797, %sub3A_803 : vector<16xi32>
    %and3A_805 = arith.constant 7 : i32
    %and3A_806 = vector.broadcast %and3A_805 : i32 to vector<16xi32>
    %and3A_807 = arith.andi %shift_right_logical3A_804, %and3A_806 : vector<16xi32>
    %mul3A_808 = arith.constant 128 : i32
    %mul3A_809 = vector.broadcast %mul3A_808 : i32 to vector<16xi32>
    %mul3A_810 = arith.muli %and3A_807, %mul3A_809 : vector<16xi32>
    %get3A_811 = arith.constant 464 : index
    %get3A_812 = tpu.vector_load %arg6[%get3A_811] {strides = array<i32>} : memref<1536xi32, #tpu.memory_space<vmem>>, vector<16xi32>,
    %add3A_813 = arith.addi %mul3A_810, %get3A_812 : vector<16xi32>
    %swap3A_814 = arith.constant 3 : i32
    %swap3A_815 = arith.index_cast %swap3A_814 : i32 to index
    %swap3A_816 = arith.constant 80 : index
    %swap3A_817 = tpu.vector_load %arg8[%swap3A_815, %swap3A_816] {strides = array<i32>} : memref<4x128xi32, #tpu.memory_space<vmem>>, vector<16xi32>,
    tpu.vector_store %arg8[%swap3A_815, %swap3A_816], %add3A_813 {strides = array<i32>} : memref<4x128xi32, #tpu.memory_space<vmem>>, vector<16xi32>,
    %get3A_818 = arith.constant 992 : index
    %get3A_819 = tpu.vector_load %arg6[%get3A_818] {strides = array<i32>} : memref<1536xi32, #tpu.memory_space<vmem>>, vector<16xi32>,
    %gather3A_820 = tpu.vector_load_idx %arg7[%get3A_819] : memref<4096xi32, #tpu.memory_space<vmem>>[vector<16xi32>], vector<16xi32>,
    %get3A_821 = arith.constant 1504 : index
    %get3A_822 = tpu.vector_load %arg6[%get3A_821] {strides = array<i32>} : memref<1536xi32, #tpu.memory_space<vmem>>, vector<16xi32>,
    %mul3A_823 = arith.constant 3 : i32
    %mul3A_824 = vector.broadcast %mul3A_823 : i32 to vector<16xi32>
    %mul3A_825 = arith.muli %gather3A_820, %mul3A_824 : vector<16xi32>
    %sub3A_826 = arith.constant 3 : i32
    %sub3A_827 = vector.broadcast %sub3A_826 : i32 to vector<16xi32>
    %sub3A_828 = arith.subi %mul3A_825, %sub3A_827 : vector<16xi32>
    %shift_right_logical3A_829 = arith.shrui %get3A_822, %sub3A_828 : vector<16xi32>
    %and3A_830 = arith.constant 7 : i32
    %and3A_831 = vector.broadcast %and3A_830 : i32 to vector<16xi32>
    %and3A_832 = arith.andi %shift_right_logical3A_829, %and3A_831 : vector<16xi32>
    %mul3A_833 = arith.constant 128 : i32
    %mul3A_834 = vector.broadcast %mul3A_833 : i32 to vector<16xi32>
    %mul3A_835 = arith.muli %and3A_832, %mul3A_834 : vector<16xi32>
    %get3A_836 = arith.constant 480 : index
    %get3A_837 = tpu.vector_load %arg6[%get3A_836] {strides = array<i32>} : memref<1536xi32, #tpu.memory_space<vmem>>, vector<16xi32>,
    %add3A_838 = arith.addi %mul3A_835, %get3A_837 : vector<16xi32>
    %swap3A_839 = arith.constant 3 : i32
    %swap3A_840 = arith.index_cast %swap3A_839 : i32 to index
    %swap3A_841 = arith.constant 96 : index
    %swap3A_842 = tpu.vector_load %arg8[%swap3A_840, %swap3A_841] {strides = array<i32>} : memref<4x128xi32, #tpu.memory_space<vmem>>, vector<16xi32>,
    tpu.vector_store %arg8[%swap3A_840, %swap3A_841], %add3A_838 {strides = array<i32>} : memref<4x128xi32, #tpu.memory_space<vmem>>, vector<16xi32>,
    %get3A_843 = arith.constant 1008 : index
    %get3A_844 = tpu.vector_load %arg6[%get3A_843] {strides = array<i32>} : memref<1536xi32, #tpu.memory_space<vmem>>, vector<16xi32>,
    %gather3A_845 = tpu.vector_load_idx %arg7[%get3A_844] : memref<4096xi32, #tpu.memory_space<vmem>>[vector<16xi32>], vector<16xi32>,
    %get3A_846 = arith.constant 1520 : index
    %get3A_847 = tpu.vector_load %arg6[%get3A_846] {strides = array<i32>} : memref<1536xi32, #tpu.memory_space<vmem>>, vector<16xi32>,
    %mul3A_848 = arith.constant 3 : i32
    %mul3A_849 = vector.broadcast %mul3A_848 : i32 to vector<16xi32>
    %mul3A_850 = arith.muli %gather3A_845, %mul3A_849 : vector<16xi32>
    %sub3A_851 = arith.constant 3 : i32
    %sub3A_852 = vector.broadcast %sub3A_851 : i32 to vector<16xi32>
    %sub3A_853 = arith.subi %mul3A_850, %sub3A_852 : vector<16xi32>
    %shift_right_logical3A_854 = arith.shrui %get3A_847, %sub3A_853 : vector<16xi32>
    %and3A_855 = arith.constant 7 : i32
    %and3A_856 = vector.broadcast %and3A_855 : i32 to vector<16xi32>
    %and3A_857 = arith.andi %shift_right_logical3A_854, %and3A_856 : vector<16xi32>
    %mul3A_858 = arith.constant 128 : i32
    %mul3A_859 = vector.broadcast %mul3A_858 : i32 to vector<16xi32>
    %mul3A_860 = arith.muli %and3A_857, %mul3A_859 : vector<16xi32>
    %get3A_861 = arith.constant 496 : index
    %get3A_862 = tpu.vector_load %arg6[%get3A_861] {strides = array<i32>} : memref<1536xi32, #tpu.memory_space<vmem>>, vector<16xi32>,
    %add3A_863 = arith.addi %mul3A_860, %get3A_862 : vector<16xi32>
    %swap3A_864 = arith.constant 3 : i32
    %swap3A_865 = arith.index_cast %swap3A_864 : i32 to index
    %swap3A_866 = arith.constant 112 : index
    %swap3A_867 = tpu.vector_load %arg8[%swap3A_865, %swap3A_866] {strides = array<i32>} : memref<4x128xi32, #tpu.memory_space<vmem>>, vector<16xi32>,
    tpu.vector_store %arg8[%swap3A_865, %swap3A_866], %add3A_863 {strides = array<i32>} : memref<4x128xi32, #tpu.memory_space<vmem>>, vector<16xi32>,
    %dma_start3A_868 = arith.constant 3 : i32
    %dma_start3A_869 = arith.constant 3 : i32
    %dma_start3A_870 = arith.constant 0 : i32
    %dma_start3A_871 = tpu.memref_slice %arg9[%dma_start3A_869, %dma_start3A_870] : memref<4x128xi32, #tpu.memory_space<vmem>> -> memref<1x128xi32, #tpu.memory_space<vmem>>
    %dma_start3A_872 = tpu.memref_squeeze %dma_start3A_871 : memref<1x128xi32, #tpu.memory_space<vmem>> -> memref<128xi32, #tpu.memory_space<vmem>>
    %dma_start3A_873 = arith.constant 0 : i32
    %dma_start3A_874 = tpu.memref_slice %arg8[%dma_start3A_868, %dma_start3A_873] : memref<4x128xi32, #tpu.memory_space<vmem>> -> memref<1x128xi32, #tpu.memory_space<vmem>>
    %dma_start3A_875 = tpu.memref_squeeze %dma_start3A_874 : memref<1x128xi32, #tpu.memory_space<vmem>> -> memref<128xi32, #tpu.memory_space<vmem>>
    %dma_start3A_876 = arith.constant 0 : i32
    %dma_start3A_877 = tpu.memref_slice %arg3[%dma_start3A_876] : memref<524288xi32, #tpu.memory_space<hbm>> -> memref<524288xi32, #tpu.memory_space<hbm>>
    tpu.enqueue_indirect_dma source(%dma_start3A_877 : memref<524288xi32, #tpu.memory_space<hbm>>) target(%dma_start3A_872 : memref<128xi32, #tpu.memory_space<vmem>>) offsets(%dma_start3A_875 : memref<128xi32, #tpu.memory_space<vmem>>) semaphore(%arg16 : memref<!tpu.dma_semaphore, #tpu.memory_space<semaphore_mem>>)
    %dma_wait3A_878 = arith.constant 0 : i32
    %dma_wait3A_879 = arith.constant 0 : i32
    %dma_wait3A_880 = arith.constant 0 : i32
    %dma_wait3A_881 = tpu.memref_slice %arg9[%dma_wait3A_879, %dma_wait3A_880] : memref<4x128xi32, #tpu.memory_space<vmem>> -> memref<1x128xi32, #tpu.memory_space<vmem>>
    %dma_wait3A_882 = tpu.memref_squeeze %dma_wait3A_881 : memref<1x128xi32, #tpu.memory_space<vmem>> -> memref<128xi32, #tpu.memory_space<vmem>>
    %dma_wait3A_883 = arith.constant 0 : i32
    %dma_wait3A_884 = tpu.memref_slice %arg8[%dma_wait3A_878, %dma_wait3A_883] : memref<4x128xi32, #tpu.memory_space<vmem>> -> memref<1x128xi32, #tpu.memory_space<vmem>>
    %dma_wait3A_885 = tpu.memref_squeeze %dma_wait3A_884 : memref<1x128xi32, #tpu.memory_space<vmem>> -> memref<128xi32, #tpu.memory_space<vmem>>
    %dma_wait3A_886 = arith.constant 0 : i32
    %dma_wait3A_887 = tpu.memref_slice %arg3[%dma_wait3A_886] : memref<524288xi32, #tpu.memory_space<hbm>> -> memref<524288xi32, #tpu.memory_space<hbm>>
    tpu.wait_indirect_dma semaphore(%arg13 : memref<!tpu.dma_semaphore, #tpu.memory_space<semaphore_mem>>) src(%dma_wait3A_887 : memref<524288xi32, #tpu.memory_space<hbm>>) dst(%dma_wait3A_882 : memref<128xi32, #tpu.memory_space<vmem>>)
    %jit3A_888 = arith.constant 8 : i32
    %div3A_889 = arith.divsi %select_n3A, %jit3A_888 : i32
    %sign3A_890 = arith.constant 0 : i32
    %sign3A_891 = arith.cmpi sgt, %select_n3A, %sign3A_890 : i32
    %sign3A_892 = arith.extui %sign3A_891 : i1 to i32
    %sign3A_893 = arith.constant 0 : i32
    %sign3A_894 = arith.cmpi slt, %select_n3A, %sign3A_893 : i32
    %sign3A_895 = arith.extui %sign3A_894 : i1 to i32
    %sign3A_896 = arith.subi %sign3A_892, %sign3A_895 : i32
    %sign3A_897 = arith.constant 0 : i32
    %sign3A_898 = arith.cmpi sgt, %jit3A_888, %sign3A_897 : i32
    %sign3A_899 = arith.extui %sign3A_898 : i1 to i32
    %sign3A_900 = arith.constant 0 : i32
    %sign3A_901 = arith.cmpi slt, %jit3A_888, %sign3A_900 : i32
    %sign3A_902 = arith.extui %sign3A_901 : i1 to i32
    %sign3A_903 = arith.subi %sign3A_899, %sign3A_902 : i32
    %ne3A_904 = arith.cmpi ne, %sign3A_896, %sign3A_903 : i32
    %rem3A_905 = arith.remsi %select_n3A, %jit3A_888 : i32
    %ne3A_906 = arith.constant 0 : i32
    %ne3A_907 = arith.cmpi ne, %rem3A_905, %ne3A_906 : i32
    %and3A_908 = arith.andi %ne3A_904, %ne3A_907 : i1
    %sub3A_909 = arith.constant 1 : i32
    %sub3A_910 = arith.subi %div3A_889, %sub3A_909 : i32
    %select_n3A_911 = arith.select %and3A_908, %sub3A_910, %div3A_889 : i32
    %mul3A_912 = arith.constant 4 : i32
    %mul3A_913 = arith.muli %sub3A_19, %mul3A_912 : i32
    %add3A_914 = arith.constant 0 : i32
    %add3A_915 = arith.addi %mul3A_913, %add3A_914 : i32
    %jit3A_916 = arith.constant 8 : i32
    %eq3A = arith.constant 0 : i32
    %eq3A_917 = arith.cmpi eq, %jit3A_916, %eq3A : i32
    %jit3A_918 = arith.constant 1 : i32
    %select_n3A_919 = arith.select %eq3A_917, %jit3A_918, %jit3A_916 : i32
    %rem3A_920 = arith.remsi %select_n3A, %select_n3A_919 : i32
    %ne3A_921 = arith.constant 0 : i32
    %ne3A_922 = arith.cmpi ne, %rem3A_920, %ne3A_921 : i32
    %lt3A = arith.constant 0 : i32
    %lt3A_923 = arith.cmpi slt, %rem3A_920, %lt3A : i32
    %lt3A_924 = arith.constant 0 : i32
    %lt3A_925 = arith.cmpi slt, %select_n3A_919, %lt3A_924 : i32
    %ne3A_926 = arith.xori %lt3A_923, %lt3A_925 : i1
    %and3A_927 = arith.andi %ne3A_926, %ne3A_922 : i1
    %add3A_928 = arith.addi %rem3A_920, %select_n3A_919 : i32
    %select_n3A_929 = arith.select %and3A_927, %add3A_928, %rem3A_920 : i32
    %dma_start3A_930 = arith.constant 0 : i32
    %dma_start3A_931 = arith.constant 0 : i32
    %dma_start3A_932 = tpu.memref_slice %arg9[%dma_start3A_930, %dma_start3A_931] : memref<4x128xi32, #tpu.memory_space<vmem>> -> memref<1x128xi32, #tpu.memory_space<vmem>>
    %dma_start3A_933 = tpu.memref_squeeze %dma_start3A_932 : memref<1x128xi32, #tpu.memory_space<vmem>> -> memref<128xi32, #tpu.memory_space<vmem>>
    %dma_start3A_934 = arith.constant 0 : i32
    %dma_start3A_935 = tpu.memref_slice %arg5[%select_n3A_911, %add3A_915, %select_n3A_929, %dma_start3A_934] : memref<2x8x8x128xi32, #tpu.memory_space<hbm>> -> memref<1x1x1x128xi32, #tpu.memory_space<hbm>>
    %dma_start3A_936 = tpu.memref_squeeze %dma_start3A_935 : memref<1x1x1x128xi32, #tpu.memory_space<hbm>> -> memref<128xi32, #tpu.memory_space<hbm>>
    %dma_start3A_937 = arith.constant 0 : i32
    %dma_start3A_938 = tpu.memref_slice %arg5[%select_n3A_911, %add3A_915, %select_n3A_929, %dma_start3A_937] : memref<2x8x8x128xi32, #tpu.memory_space<hbm>> -> memref<1x1x1x128xi32, #tpu.memory_space<hbm>>
    %dma_start3A_939 = tpu.memref_squeeze %dma_start3A_938 : memref<1x1x1x128xi32, #tpu.memory_space<hbm>> -> memref<128xi32, #tpu.memory_space<hbm>>
    %dma_start3A_940 = arith.constant 0 : i32
    %dma_start3A_941 = tpu.memref_slice %arg9[%dma_start3A_930, %dma_start3A_940] : memref<4x128xi32, #tpu.memory_space<vmem>> -> memref<1x128xi32, #tpu.memory_space<vmem>>
    %dma_start3A_942 = tpu.memref_squeeze %dma_start3A_941 : memref<1x128xi32, #tpu.memory_space<vmem>> -> memref<128xi32, #tpu.memory_space<vmem>>
    tpu.enqueue_dma source(%dma_start3A_942 : memref<128xi32, #tpu.memory_space<vmem>>) target(%dma_start3A_939 : memref<128xi32, #tpu.memory_space<hbm>>) target_semaphore(%arg12 : memref<!tpu.dma_semaphore, #tpu.memory_space<semaphore_mem>>)
    %dma_wait3A_943 = arith.constant 1 : i32
    %dma_wait3A_944 = arith.constant 1 : i32
    %dma_wait3A_945 = arith.constant 0 : i32
    %dma_wait3A_946 = tpu.memref_slice %arg9[%dma_wait3A_944, %dma_wait3A_945] : memref<4x128xi32, #tpu.memory_space<vmem>> -> memref<1x128xi32, #tpu.memory_space<vmem>>
    %dma_wait3A_947 = tpu.memref_squeeze %dma_wait3A_946 : memref<1x128xi32, #tpu.memory_space<vmem>> -> memref<128xi32, #tpu.memory_space<vmem>>
    %dma_wait3A_948 = arith.constant 0 : i32
    %dma_wait3A_949 = tpu.memref_slice %arg8[%dma_wait3A_943, %dma_wait3A_948] : memref<4x128xi32, #tpu.memory_space<vmem>> -> memref<1x128xi32, #tpu.memory_space<vmem>>
    %dma_wait3A_950 = tpu.memref_squeeze %dma_wait3A_949 : memref<1x128xi32, #tpu.memory_space<vmem>> -> memref<128xi32, #tpu.memory_space<vmem>>
    %dma_wait3A_951 = arith.constant 0 : i32
    %dma_wait3A_952 = tpu.memref_slice %arg3[%dma_wait3A_951] : memref<524288xi32, #tpu.memory_space<hbm>> -> memref<524288xi32, #tpu.memory_space<hbm>>
    tpu.wait_indirect_dma semaphore(%arg14 : memref<!tpu.dma_semaphore, #tpu.memory_space<semaphore_mem>>) src(%dma_wait3A_952 : memref<524288xi32, #tpu.memory_space<hbm>>) dst(%dma_wait3A_947 : memref<128xi32, #tpu.memory_space<vmem>>)
    %jit3A_953 = arith.constant 8 : i32
    %div3A_954 = arith.divsi %select_n3A, %jit3A_953 : i32
    %sign3A_955 = arith.constant 0 : i32
    %sign3A_956 = arith.cmpi sgt, %select_n3A, %sign3A_955 : i32
    %sign3A_957 = arith.extui %sign3A_956 : i1 to i32
    %sign3A_958 = arith.constant 0 : i32
    %sign3A_959 = arith.cmpi slt, %select_n3A, %sign3A_958 : i32
    %sign3A_960 = arith.extui %sign3A_959 : i1 to i32
    %sign3A_961 = arith.subi %sign3A_957, %sign3A_960 : i32
    %sign3A_962 = arith.constant 0 : i32
    %sign3A_963 = arith.cmpi sgt, %jit3A_953, %sign3A_962 : i32
    %sign3A_964 = arith.extui %sign3A_963 : i1 to i32
    %sign3A_965 = arith.constant 0 : i32
    %sign3A_966 = arith.cmpi slt, %jit3A_953, %sign3A_965 : i32
    %sign3A_967 = arith.extui %sign3A_966 : i1 to i32
    %sign3A_968 = arith.subi %sign3A_964, %sign3A_967 : i32
    %ne3A_969 = arith.cmpi ne, %sign3A_961, %sign3A_968 : i32
    %rem3A_970 = arith.remsi %select_n3A, %jit3A_953 : i32
    %ne3A_971 = arith.constant 0 : i32
    %ne3A_972 = arith.cmpi ne, %rem3A_970, %ne3A_971 : i32
    %and3A_973 = arith.andi %ne3A_969, %ne3A_972 : i1
    %sub3A_974 = arith.constant 1 : i32
    %sub3A_975 = arith.subi %div3A_954, %sub3A_974 : i32
    %select_n3A_976 = arith.select %and3A_973, %sub3A_975, %div3A_954 : i32
    %mul3A_977 = arith.constant 4 : i32
    %mul3A_978 = arith.muli %sub3A_19, %mul3A_977 : i32
    %add3A_979 = arith.constant 1 : i32
    %add3A_980 = arith.addi %mul3A_978, %add3A_979 : i32
    %jit3A_981 = arith.constant 8 : i32
    %eq3A_982 = arith.constant 0 : i32
    %eq3A_983 = arith.cmpi eq, %jit3A_981, %eq3A_982 : i32
    %jit3A_984 = arith.constant 1 : i32
    %select_n3A_985 = arith.select %eq3A_983, %jit3A_984, %jit3A_981 : i32
    %rem3A_986 = arith.remsi %select_n3A, %select_n3A_985 : i32
    %ne3A_987 = arith.constant 0 : i32
    %ne3A_988 = arith.cmpi ne, %rem3A_986, %ne3A_987 : i32
    %lt3A_989 = arith.constant 0 : i32
    %lt3A_990 = arith.cmpi slt, %rem3A_986, %lt3A_989 : i32
    %lt3A_991 = arith.constant 0 : i32
    %lt3A_992 = arith.cmpi slt, %select_n3A_985, %lt3A_991 : i32
    %ne3A_993 = arith.xori %lt3A_990, %lt3A_992 : i1
    %and3A_994 = arith.andi %ne3A_993, %ne3A_988 : i1
    %add3A_995 = arith.addi %rem3A_986, %select_n3A_985 : i32
    %select_n3A_996 = arith.select %and3A_994, %add3A_995, %rem3A_986 : i32
    %dma_start3A_997 = arith.constant 1 : i32
    %dma_start3A_998 = arith.constant 0 : i32
    %dma_start3A_999 = tpu.memref_slice %arg9[%dma_start3A_997, %dma_start3A_998] : memref<4x128xi32, #tpu.memory_space<vmem>> -> memref<1x128xi32, #tpu.memory_space<vmem>>
    %dma_start3A_1000 = tpu.memref_squeeze %dma_start3A_999 : memref<1x128xi32, #tpu.memory_space<vmem>> -> memref<128xi32, #tpu.memory_space<vmem>>
    %dma_start3A_1001 = arith.constant 0 : i32
    %dma_start3A_1002 = tpu.memref_slice %arg5[%select_n3A_976, %add3A_980, %select_n3A_996, %dma_start3A_1001] : memref<2x8x8x128xi32, #tpu.memory_space<hbm>> -> memref<1x1x1x128xi32, #tpu.memory_space<hbm>>
    %dma_start3A_1003 = tpu.memref_squeeze %dma_start3A_1002 : memref<1x1x1x128xi32, #tpu.memory_space<hbm>> -> memref<128xi32, #tpu.memory_space<hbm>>
    %dma_start3A_1004 = arith.constant 0 : i32
    %dma_start3A_1005 = tpu.memref_slice %arg5[%select_n3A_976, %add3A_980, %select_n3A_996, %dma_start3A_1004] : memref<2x8x8x128xi32, #tpu.memory_space<hbm>> -> memref<1x1x1x128xi32, #tpu.memory_space<hbm>>
    %dma_start3A_1006 = tpu.memref_squeeze %dma_start3A_1005 : memref<1x1x1x128xi32, #tpu.memory_space<hbm>> -> memref<128xi32, #tpu.memory_space<hbm>>
    %dma_start3A_1007 = arith.constant 0 : i32
    %dma_start3A_1008 = tpu.memref_slice %arg9[%dma_start3A_997, %dma_start3A_1007] : memref<4x128xi32, #tpu.memory_space<vmem>> -> memref<1x128xi32, #tpu.memory_space<vmem>>
    %dma_start3A_1009 = tpu.memref_squeeze %dma_start3A_1008 : memref<1x128xi32, #tpu.memory_space<vmem>> -> memref<128xi32, #tpu.memory_space<vmem>>
    tpu.enqueue_dma source(%dma_start3A_1009 : memref<128xi32, #tpu.memory_space<vmem>>) target(%dma_start3A_1006 : memref<128xi32, #tpu.memory_space<hbm>>) target_semaphore(%arg12 : memref<!tpu.dma_semaphore, #tpu.memory_space<semaphore_mem>>)
    %dma_wait3A_1010 = arith.constant 2 : i32
    %dma_wait3A_1011 = arith.constant 2 : i32
    %dma_wait3A_1012 = arith.constant 0 : i32
    %dma_wait3A_1013 = tpu.memref_slice %arg9[%dma_wait3A_1011, %dma_wait3A_1012] : memref<4x128xi32, #tpu.memory_space<vmem>> -> memref<1x128xi32, #tpu.memory_space<vmem>>
    %dma_wait3A_1014 = tpu.memref_squeeze %dma_wait3A_1013 : memref<1x128xi32, #tpu.memory_space<vmem>> -> memref<128xi32, #tpu.memory_space<vmem>>
    %dma_wait3A_1015 = arith.constant 0 : i32
    %dma_wait3A_1016 = tpu.memref_slice %arg8[%dma_wait3A_1010, %dma_wait3A_1015] : memref<4x128xi32, #tpu.memory_space<vmem>> -> memref<1x128xi32, #tpu.memory_space<vmem>>
    %dma_wait3A_1017 = tpu.memref_squeeze %dma_wait3A_1016 : memref<1x128xi32, #tpu.memory_space<vmem>> -> memref<128xi32, #tpu.memory_space<vmem>>
    %dma_wait3A_1018 = arith.constant 0 : i32
    %dma_wait3A_1019 = tpu.memref_slice %arg3[%dma_wait3A_1018] : memref<524288xi32, #tpu.memory_space<hbm>> -> memref<524288xi32, #tpu.memory_space<hbm>>
    tpu.wait_indirect_dma semaphore(%arg15 : memref<!tpu.dma_semaphore, #tpu.memory_space<semaphore_mem>>) src(%dma_wait3A_1019 : memref<524288xi32, #tpu.memory_space<hbm>>) dst(%dma_wait3A_1014 : memref<128xi32, #tpu.memory_space<vmem>>)
    %jit3A_1020 = arith.constant 8 : i32
    %div3A_1021 = arith.divsi %select_n3A, %jit3A_1020 : i32
    %sign3A_1022 = arith.constant 0 : i32
    %sign3A_1023 = arith.cmpi sgt, %select_n3A, %sign3A_1022 : i32
    %sign3A_1024 = arith.extui %sign3A_1023 : i1 to i32
    %sign3A_1025 = arith.constant 0 : i32
    %sign3A_1026 = arith.cmpi slt, %select_n3A, %sign3A_1025 : i32
    %sign3A_1027 = arith.extui %sign3A_1026 : i1 to i32
    %sign3A_1028 = arith.subi %sign3A_1024, %sign3A_1027 : i32
    %sign3A_1029 = arith.constant 0 : i32
    %sign3A_1030 = arith.cmpi sgt, %jit3A_1020, %sign3A_1029 : i32
    %sign3A_1031 = arith.extui %sign3A_1030 : i1 to i32
    %sign3A_1032 = arith.constant 0 : i32
    %sign3A_1033 = arith.cmpi slt, %jit3A_1020, %sign3A_1032 : i32
    %sign3A_1034 = arith.extui %sign3A_1033 : i1 to i32
    %sign3A_1035 = arith.subi %sign3A_1031, %sign3A_1034 : i32
    %ne3A_1036 = arith.cmpi ne, %sign3A_1028, %sign3A_1035 : i32
    %rem3A_1037 = arith.remsi %select_n3A, %jit3A_1020 : i32
    %ne3A_1038 = arith.constant 0 : i32
    %ne3A_1039 = arith.cmpi ne, %rem3A_1037, %ne3A_1038 : i32
    %and3A_1040 = arith.andi %ne3A_1036, %ne3A_1039 : i1
    %sub3A_1041 = arith.constant 1 : i32
    %sub3A_1042 = arith.subi %div3A_1021, %sub3A_1041 : i32
    %select_n3A_1043 = arith.select %and3A_1040, %sub3A_1042, %div3A_1021 : i32
    %mul3A_1044 = arith.constant 4 : i32
    %mul3A_1045 = arith.muli %sub3A_19, %mul3A_1044 : i32
    %add3A_1046 = arith.constant 2 : i32
    %add3A_1047 = arith.addi %mul3A_1045, %add3A_1046 : i32
    %jit3A_1048 = arith.constant 8 : i32
    %eq3A_1049 = arith.constant 0 : i32
    %eq3A_1050 = arith.cmpi eq, %jit3A_1048, %eq3A_1049 : i32
    %jit3A_1051 = arith.constant 1 : i32
    %select_n3A_1052 = arith.select %eq3A_1050, %jit3A_1051, %jit3A_1048 : i32
    %rem3A_1053 = arith.remsi %select_n3A, %select_n3A_1052 : i32
    %ne3A_1054 = arith.constant 0 : i32
    %ne3A_1055 = arith.cmpi ne, %rem3A_1053, %ne3A_1054 : i32
    %lt3A_1056 = arith.constant 0 : i32
    %lt3A_1057 = arith.cmpi slt, %rem3A_1053, %lt3A_1056 : i32
    %lt3A_1058 = arith.constant 0 : i32
    %lt3A_1059 = arith.cmpi slt, %select_n3A_1052, %lt3A_1058 : i32
    %ne3A_1060 = arith.xori %lt3A_1057, %lt3A_1059 : i1
    %and3A_1061 = arith.andi %ne3A_1060, %ne3A_1055 : i1
    %add3A_1062 = arith.addi %rem3A_1053, %select_n3A_1052 : i32
    %select_n3A_1063 = arith.select %and3A_1061, %add3A_1062, %rem3A_1053 : i32
    %dma_start3A_1064 = arith.constant 2 : i32
    %dma_start3A_1065 = arith.constant 0 : i32
    %dma_start3A_1066 = tpu.memref_slice %arg9[%dma_start3A_1064, %dma_start3A_1065] : memref<4x128xi32, #tpu.memory_space<vmem>> -> memref<1x128xi32, #tpu.memory_space<vmem>>
    %dma_start3A_1067 = tpu.memref_squeeze %dma_start3A_1066 : memref<1x128xi32, #tpu.memory_space<vmem>> -> memref<128xi32, #tpu.memory_space<vmem>>
    %dma_start3A_1068 = arith.constant 0 : i32
    %dma_start3A_1069 = tpu.memref_slice %arg5[%select_n3A_1043, %add3A_1047, %select_n3A_1063, %dma_start3A_1068] : memref<2x8x8x128xi32, #tpu.memory_space<hbm>> -> memref<1x1x1x128xi32, #tpu.memory_space<hbm>>
    %dma_start3A_1070 = tpu.memref_squeeze %dma_start3A_1069 : memref<1x1x1x128xi32, #tpu.memory_space<hbm>> -> memref<128xi32, #tpu.memory_space<hbm>>
    %dma_start3A_1071 = arith.constant 0 : i32
    %dma_start3A_1072 = tpu.memref_slice %arg5[%select_n3A_1043, %add3A_1047, %select_n3A_1063, %dma_start3A_1071] : memref<2x8x8x128xi32, #tpu.memory_space<hbm>> -> memref<1x1x1x128xi32, #tpu.memory_space<hbm>>
    %dma_start3A_1073 = tpu.memref_squeeze %dma_start3A_1072 : memref<1x1x1x128xi32, #tpu.memory_space<hbm>> -> memref<128xi32, #tpu.memory_space<hbm>>
    %dma_start3A_1074 = arith.constant 0 : i32
    %dma_start3A_1075 = tpu.memref_slice %arg9[%dma_start3A_1064, %dma_start3A_1074] : memref<4x128xi32, #tpu.memory_space<vmem>> -> memref<1x128xi32, #tpu.memory_space<vmem>>
    %dma_start3A_1076 = tpu.memref_squeeze %dma_start3A_1075 : memref<1x128xi32, #tpu.memory_space<vmem>> -> memref<128xi32, #tpu.memory_space<vmem>>
    tpu.enqueue_dma source(%dma_start3A_1076 : memref<128xi32, #tpu.memory_space<vmem>>) target(%dma_start3A_1073 : memref<128xi32, #tpu.memory_space<hbm>>) target_semaphore(%arg12 : memref<!tpu.dma_semaphore, #tpu.memory_space<semaphore_mem>>)
    %dma_wait3A_1077 = arith.constant 3 : i32
    %dma_wait3A_1078 = arith.constant 3 : i32
    %dma_wait3A_1079 = arith.constant 0 : i32
    %dma_wait3A_1080 = tpu.memref_slice %arg9[%dma_wait3A_1078, %dma_wait3A_1079] : memref<4x128xi32, #tpu.memory_space<vmem>> -> memref<1x128xi32, #tpu.memory_space<vmem>>
    %dma_wait3A_1081 = tpu.memref_squeeze %dma_wait3A_1080 : memref<1x128xi32, #tpu.memory_space<vmem>> -> memref<128xi32, #tpu.memory_space<vmem>>
    %dma_wait3A_1082 = arith.constant 0 : i32
    %dma_wait3A_1083 = tpu.memref_slice %arg8[%dma_wait3A_1077, %dma_wait3A_1082] : memref<4x128xi32, #tpu.memory_space<vmem>> -> memref<1x128xi32, #tpu.memory_space<vmem>>
    %dma_wait3A_1084 = tpu.memref_squeeze %dma_wait3A_1083 : memref<1x128xi32, #tpu.memory_space<vmem>> -> memref<128xi32, #tpu.memory_space<vmem>>
    %dma_wait3A_1085 = arith.constant 0 : i32
    %dma_wait3A_1086 = tpu.memref_slice %arg3[%dma_wait3A_1085] : memref<524288xi32, #tpu.memory_space<hbm>> -> memref<524288xi32, #tpu.memory_space<hbm>>
    tpu.wait_indirect_dma semaphore(%arg16 : memref<!tpu.dma_semaphore, #tpu.memory_space<semaphore_mem>>) src(%dma_wait3A_1086 : memref<524288xi32, #tpu.memory_space<hbm>>) dst(%dma_wait3A_1081 : memref<128xi32, #tpu.memory_space<vmem>>)
    %jit3A_1087 = arith.constant 8 : i32
    %div3A_1088 = arith.divsi %select_n3A, %jit3A_1087 : i32
    %sign3A_1089 = arith.constant 0 : i32
    %sign3A_1090 = arith.cmpi sgt, %select_n3A, %sign3A_1089 : i32
    %sign3A_1091 = arith.extui %sign3A_1090 : i1 to i32
    %sign3A_1092 = arith.constant 0 : i32
    %sign3A_1093 = arith.cmpi slt, %select_n3A, %sign3A_1092 : i32
    %sign3A_1094 = arith.extui %sign3A_1093 : i1 to i32
    %sign3A_1095 = arith.subi %sign3A_1091, %sign3A_1094 : i32
    %sign3A_1096 = arith.constant 0 : i32
    %sign3A_1097 = arith.cmpi sgt, %jit3A_1087, %sign3A_1096 : i32
    %sign3A_1098 = arith.extui %sign3A_1097 : i1 to i32
    %sign3A_1099 = arith.constant 0 : i32
    %sign3A_1100 = arith.cmpi slt, %jit3A_1087, %sign3A_1099 : i32
    %sign3A_1101 = arith.extui %sign3A_1100 : i1 to i32
    %sign3A_1102 = arith.subi %sign3A_1098, %sign3A_1101 : i32
    %ne3A_1103 = arith.cmpi ne, %sign3A_1095, %sign3A_1102 : i32
    %rem3A_1104 = arith.remsi %select_n3A, %jit3A_1087 : i32
    %ne3A_1105 = arith.constant 0 : i32
    %ne3A_1106 = arith.cmpi ne, %rem3A_1104, %ne3A_1105 : i32
    %and3A_1107 = arith.andi %ne3A_1103, %ne3A_1106 : i1
    %sub3A_1108 = arith.constant 1 : i32
    %sub3A_1109 = arith.subi %div3A_1088, %sub3A_1108 : i32
    %select_n3A_1110 = arith.select %and3A_1107, %sub3A_1109, %div3A_1088 : i32
    %mul3A_1111 = arith.constant 4 : i32
    %mul3A_1112 = arith.muli %sub3A_19, %mul3A_1111 : i32
    %add3A_1113 = arith.constant 3 : i32
    %add3A_1114 = arith.addi %mul3A_1112, %add3A_1113 : i32
    %jit3A_1115 = arith.constant 8 : i32
    %eq3A_1116 = arith.constant 0 : i32
    %eq3A_1117 = arith.cmpi eq, %jit3A_1115, %eq3A_1116 : i32
    %jit3A_1118 = arith.constant 1 : i32
    %select_n3A_1119 = arith.select %eq3A_1117, %jit3A_1118, %jit3A_1115 : i32
    %rem3A_1120 = arith.remsi %select_n3A, %select_n3A_1119 : i32
    %ne3A_1121 = arith.constant 0 : i32
    %ne3A_1122 = arith.cmpi ne, %rem3A_1120, %ne3A_1121 : i32
    %lt3A_1123 = arith.constant 0 : i32
    %lt3A_1124 = arith.cmpi slt, %rem3A_1120, %lt3A_1123 : i32
    %lt3A_1125 = arith.constant 0 : i32
    %lt3A_1126 = arith.cmpi slt, %select_n3A_1119, %lt3A_1125 : i32
    %ne3A_1127 = arith.xori %lt3A_1124, %lt3A_1126 : i1
    %and3A_1128 = arith.andi %ne3A_1127, %ne3A_1122 : i1
    %add3A_1129 = arith.addi %rem3A_1120, %select_n3A_1119 : i32
    %select_n3A_1130 = arith.select %and3A_1128, %add3A_1129, %rem3A_1120 : i32
    %dma_start3A_1131 = arith.constant 3 : i32
    %dma_start3A_1132 = arith.constant 0 : i32
    %dma_start3A_1133 = tpu.memref_slice %arg9[%dma_start3A_1131, %dma_start3A_1132] : memref<4x128xi32, #tpu.memory_space<vmem>> -> memref<1x128xi32, #tpu.memory_space<vmem>>
    %dma_start3A_1134 = tpu.memref_squeeze %dma_start3A_1133 : memref<1x128xi32, #tpu.memory_space<vmem>> -> memref<128xi32, #tpu.memory_space<vmem>>
    %dma_start3A_1135 = arith.constant 0 : i32
    %dma_start3A_1136 = tpu.memref_slice %arg5[%select_n3A_1110, %add3A_1114, %select_n3A_1130, %dma_start3A_1135] : memref<2x8x8x128xi32, #tpu.memory_space<hbm>> -> memref<1x1x1x128xi32, #tpu.memory_space<hbm>>
    %dma_start3A_1137 = tpu.memref_squeeze %dma_start3A_1136 : memref<1x1x1x128xi32, #tpu.memory_space<hbm>> -> memref<128xi32, #tpu.memory_space<hbm>>
    %dma_start3A_1138 = arith.constant 0 : i32
    %dma_start3A_1139 = tpu.memref_slice %arg5[%select_n3A_1110, %add3A_1114, %select_n3A_1130, %dma_start3A_1138] : memref<2x8x8x128xi32, #tpu.memory_space<hbm>> -> memref<1x1x1x128xi32, #tpu.memory_space<hbm>>
    %dma_start3A_1140 = tpu.memref_squeeze %dma_start3A_1139 : memref<1x1x1x128xi32, #tpu.memory_space<hbm>> -> memref<128xi32, #tpu.memory_space<hbm>>
    %dma_start3A_1141 = arith.constant 0 : i32
    %dma_start3A_1142 = tpu.memref_slice %arg9[%dma_start3A_1131, %dma_start3A_1141] : memref<4x128xi32, #tpu.memory_space<vmem>> -> memref<1x128xi32, #tpu.memory_space<vmem>>
    %dma_start3A_1143 = tpu.memref_squeeze %dma_start3A_1142 : memref<1x128xi32, #tpu.memory_space<vmem>> -> memref<128xi32, #tpu.memory_space<vmem>>
    tpu.enqueue_dma source(%dma_start3A_1143 : memref<128xi32, #tpu.memory_space<vmem>>) target(%dma_start3A_1140 : memref<128xi32, #tpu.memory_space<hbm>>) target_semaphore(%arg12 : memref<!tpu.dma_semaphore, #tpu.memory_space<semaphore_mem>>)
    %dma_wait3A_1144 = arith.constant 0 : i32
    %dma_wait3A_1145 = arith.constant 0 : i32
    %dma_wait3A_1146 = tpu.memref_slice %arg9[%dma_wait3A_1144, %dma_wait3A_1145] : memref<4x128xi32, #tpu.memory_space<vmem>> -> memref<1x128xi32, #tpu.memory_space<vmem>>
    %dma_wait3A_1147 = tpu.memref_squeeze %dma_wait3A_1146 : memref<1x128xi32, #tpu.memory_space<vmem>> -> memref<128xi32, #tpu.memory_space<vmem>>
    %dma_wait3A_1148 = arith.constant 0 : i32
    %dma_wait3A_1149 = tpu.memref_slice %arg5[%select_n3A_911, %add3A_915, %select_n3A_929, %dma_wait3A_1148] : memref<2x8x8x128xi32, #tpu.memory_space<hbm>> -> memref<1x1x1x128xi32, #tpu.memory_space<hbm>>
    %dma_wait3A_1150 = tpu.memref_squeeze %dma_wait3A_1149 : memref<1x1x1x128xi32, #tpu.memory_space<hbm>> -> memref<128xi32, #tpu.memory_space<hbm>>
    %dma_wait3A_1151 = arith.constant 0 : i32
    %dma_wait3A_1152 = tpu.memref_slice %arg5[%select_n3A_911, %add3A_915, %select_n3A_929, %dma_wait3A_1151] : memref<2x8x8x128xi32, #tpu.memory_space<hbm>> -> memref<1x1x1x128xi32, #tpu.memory_space<hbm>>
    %dma_wait3A_1153 = tpu.memref_squeeze %dma_wait3A_1152 : memref<1x1x1x128xi32, #tpu.memory_space<hbm>> -> memref<128xi32, #tpu.memory_space<hbm>>
    %dma_wait3A_1154 = arith.constant 0 : i32
    %dma_wait3A_1155 = tpu.memref_slice %arg9[%dma_wait3A_1144, %dma_wait3A_1154] : memref<4x128xi32, #tpu.memory_space<vmem>> -> memref<1x128xi32, #tpu.memory_space<vmem>>
    %dma_wait3A_1156 = tpu.memref_squeeze %dma_wait3A_1155 : memref<1x128xi32, #tpu.memory_space<vmem>> -> memref<128xi32, #tpu.memory_space<vmem>>
    tpu.wait_dma2 semaphore(%arg12 : memref<!tpu.dma_semaphore, #tpu.memory_space<semaphore_mem>>) src(%dma_wait3A_1156 : memref<128xi32, #tpu.memory_space<vmem>>) dst(%dma_wait3A_1153 : memref<128xi32, #tpu.memory_space<hbm>>)
    %dma_wait3A_1157 = arith.constant 1 : i32
    %dma_wait3A_1158 = arith.constant 0 : i32
    %dma_wait3A_1159 = tpu.memref_slice %arg9[%dma_wait3A_1157, %dma_wait3A_1158] : memref<4x128xi32, #tpu.memory_space<vmem>> -> memref<1x128xi32, #tpu.memory_space<vmem>>
    %dma_wait3A_1160 = tpu.memref_squeeze %dma_wait3A_1159 : memref<1x128xi32, #tpu.memory_space<vmem>> -> memref<128xi32, #tpu.memory_space<vmem>>
    %dma_wait3A_1161 = arith.constant 0 : i32
    %dma_wait3A_1162 = tpu.memref_slice %arg5[%select_n3A_976, %add3A_980, %select_n3A_996, %dma_wait3A_1161] : memref<2x8x8x128xi32, #tpu.memory_space<hbm>> -> memref<1x1x1x128xi32, #tpu.memory_space<hbm>>
    %dma_wait3A_1163 = tpu.memref_squeeze %dma_wait3A_1162 : memref<1x1x1x128xi32, #tpu.memory_space<hbm>> -> memref<128xi32, #tpu.memory_space<hbm>>
    %dma_wait3A_1164 = arith.constant 0 : i32
    %dma_wait3A_1165 = tpu.memref_slice %arg5[%select_n3A_976, %add3A_980, %select_n3A_996, %dma_wait3A_1164] : memref<2x8x8x128xi32, #tpu.memory_space<hbm>> -> memref<1x1x1x128xi32, #tpu.memory_space<hbm>>
    %dma_wait3A_1166 = tpu.memref_squeeze %dma_wait3A_1165 : memref<1x1x1x128xi32, #tpu.memory_space<hbm>> -> memref<128xi32, #tpu.memory_space<hbm>>
    %dma_wait3A_1167 = arith.constant 0 : i32
    %dma_wait3A_1168 = tpu.memref_slice %arg9[%dma_wait3A_1157, %dma_wait3A_1167] : memref<4x128xi32, #tpu.memory_space<vmem>> -> memref<1x128xi32, #tpu.memory_space<vmem>>
    %dma_wait3A_1169 = tpu.memref_squeeze %dma_wait3A_1168 : memref<1x128xi32, #tpu.memory_space<vmem>> -> memref<128xi32, #tpu.memory_space<vmem>>
    tpu.wait_dma2 semaphore(%arg12 : memref<!tpu.dma_semaphore, #tpu.memory_space<semaphore_mem>>) src(%dma_wait3A_1169 : memref<128xi32, #tpu.memory_space<vmem>>) dst(%dma_wait3A_1166 : memref<128xi32, #tpu.memory_space<hbm>>)
    %dma_wait3A_1170 = arith.constant 2 : i32
    %dma_wait3A_1171 = arith.constant 0 : i32
    %dma_wait3A_1172 = tpu.memref_slice %arg9[%dma_wait3A_1170, %dma_wait3A_1171] : memref<4x128xi32, #tpu.memory_space<vmem>> -> memref<1x128xi32, #tpu.memory_space<vmem>>
    %dma_wait3A_1173 = tpu.memref_squeeze %dma_wait3A_1172 : memref<1x128xi32, #tpu.memory_space<vmem>> -> memref<128xi32, #tpu.memory_space<vmem>>
    %dma_wait3A_1174 = arith.constant 0 : i32
    %dma_wait3A_1175 = tpu.memref_slice %arg5[%select_n3A_1043, %add3A_1047, %select_n3A_1063, %dma_wait3A_1174] : memref<2x8x8x128xi32, #tpu.memory_space<hbm>> -> memref<1x1x1x128xi32, #tpu.memory_space<hbm>>
    %dma_wait3A_1176 = tpu.memref_squeeze %dma_wait3A_1175 : memref<1x1x1x128xi32, #tpu.memory_space<hbm>> -> memref<128xi32, #tpu.memory_space<hbm>>
    %dma_wait3A_1177 = arith.constant 0 : i32
    %dma_wait3A_1178 = tpu.memref_slice %arg5[%select_n3A_1043, %add3A_1047, %select_n3A_1063, %dma_wait3A_1177] : memref<2x8x8x128xi32, #tpu.memory_space<hbm>> -> memref<1x1x1x128xi32, #tpu.memory_space<hbm>>
    %dma_wait3A_1179 = tpu.memref_squeeze %dma_wait3A_1178 : memref<1x1x1x128xi32, #tpu.memory_space<hbm>> -> memref<128xi32, #tpu.memory_space<hbm>>
    %dma_wait3A_1180 = arith.constant 0 : i32
    %dma_wait3A_1181 = tpu.memref_slice %arg9[%dma_wait3A_1170, %dma_wait3A_1180] : memref<4x128xi32, #tpu.memory_space<vmem>> -> memref<1x128xi32, #tpu.memory_space<vmem>>
    %dma_wait3A_1182 = tpu.memref_squeeze %dma_wait3A_1181 : memref<1x128xi32, #tpu.memory_space<vmem>> -> memref<128xi32, #tpu.memory_space<vmem>>
    tpu.wait_dma2 semaphore(%arg12 : memref<!tpu.dma_semaphore, #tpu.memory_space<semaphore_mem>>) src(%dma_wait3A_1182 : memref<128xi32, #tpu.memory_space<vmem>>) dst(%dma_wait3A_1179 : memref<128xi32, #tpu.memory_space<hbm>>)
    %dma_wait3A_1183 = arith.constant 3 : i32
    %dma_wait3A_1184 = arith.constant 0 : i32
    %dma_wait3A_1185 = tpu.memref_slice %arg9[%dma_wait3A_1183, %dma_wait3A_1184] : memref<4x128xi32, #tpu.memory_space<vmem>> -> memref<1x128xi32, #tpu.memory_space<vmem>>
    %dma_wait3A_1186 = tpu.memref_squeeze %dma_wait3A_1185 : memref<1x128xi32, #tpu.memory_space<vmem>> -> memref<128xi32, #tpu.memory_space<vmem>>
    %dma_wait3A_1187 = arith.constant 0 : i32
    %dma_wait3A_1188 = tpu.memref_slice %arg5[%select_n3A_1110, %add3A_1114, %select_n3A_1130, %dma_wait3A_1187] : memref<2x8x8x128xi32, #tpu.memory_space<hbm>> -> memref<1x1x1x128xi32, #tpu.memory_space<hbm>>
    %dma_wait3A_1189 = tpu.memref_squeeze %dma_wait3A_1188 : memref<1x1x1x128xi32, #tpu.memory_space<hbm>> -> memref<128xi32, #tpu.memory_space<hbm>>
    %dma_wait3A_1190 = arith.constant 0 : i32
    %dma_wait3A_1191 = tpu.memref_slice %arg5[%select_n3A_1110, %add3A_1114, %select_n3A_1130, %dma_wait3A_1190] : memref<2x8x8x128xi32, #tpu.memory_space<hbm>> -> memref<1x1x1x128xi32, #tpu.memory_space<hbm>>
    %dma_wait3A_1192 = tpu.memref_squeeze %dma_wait3A_1191 : memref<1x1x1x128xi32, #tpu.memory_space<hbm>> -> memref<128xi32, #tpu.memory_space<hbm>>
    %dma_wait3A_1193 = arith.constant 0 : i32
    %dma_wait3A_1194 = tpu.memref_slice %arg9[%dma_wait3A_1183, %dma_wait3A_1193] : memref<4x128xi32, #tpu.memory_space<vmem>> -> memref<1x128xi32, #tpu.memory_space<vmem>>
    %dma_wait3A_1195 = tpu.memref_squeeze %dma_wait3A_1194 : memref<1x128xi32, #tpu.memory_space<vmem>> -> memref<128xi32, #tpu.memory_space<vmem>>
    tpu.wait_dma2 semaphore(%arg12 : memref<!tpu.dma_semaphore, #tpu.memory_space<semaphore_mem>>) src(%dma_wait3A_1195 : memref<128xi32, #tpu.memory_space<vmem>>) dst(%dma_wait3A_1192 : memref<128xi32, #tpu.memory_space<hbm>>)
    return
  }
}

</mosaic_0001>

<sc_bundles>
// kernel: rvs_gather.3.cloned.1.call-start
scs
__scs_entry_jumppad:
0x0: {  	(pc) =	sbr.rel $0x88, $3  }
0x1: {  	(tag) =	ssettag $0x0;
	lr =	simm.s32 $0x1  }
0x2: {  	[smem:$0x3F9F] =	sst lr;
	_ =	strace $0xD0000000  }
0x3: {  	_ = 	snop  }
0x4: {  	_ = 	snop  }
0x5: {  	_ = 	snop  }
0x6: {  	_ = 	snop  }
0x7: {  	_ = 	snop  }
__scs_overlays_trampoline_lowered:
0x8: {  	[smem:$0x3FAE] =	sst s0  }
0x9: {  	[smem:$0x3FAF] =	sst s1  }
0xa: {  	[smem:$0x3FB0] =	sst s2  }
0xb: {  	[smem:$0x3FB1] =	sst s3  }
0xc: {  	[smem:$0x3FB2] =	sst s4  }
0xd: {  	[smem:$0x3FB3] =	sst s5  }
0xe: {  	[smem:$0x3FB4] =	sst s6  }
0xf: {  	[smem:$0x3FB5] =	sst s7  }
0x10: {  	[smem:$0x3FB6] =	sst s8  }
0x11: {  	[smem:$0x3FB7] =	sst s9;
	s0 =	simm.s32 @!p0 $0x0  }
0x12: {  	s1 =	sld [smem:$0x3F9D];
	s0 =	simm.s32 @p0 $0x1  }
0x13: {  	[smem:$0x3FB8] =	sst s0;
	s0 =	simm.s32 @!p1 $0x0  }
0x14: {  	s2 =	sld [smem:$0x3F9C];
	s0 =	simm.s32 @p1 $0x1  }
0x15: {  	[smem:$0x3FB9] =	sst s0;
	s0 =	simm.s32 @!p2 $0x0  }
0x16: {  	s3 =	sld [smem:$0x3FDB];
	s0 =	simm.s32 @p2 $0x1  }
0x17: {  	s4 =	simm.s32 $0x1BF5;
	[smem:$0x3FBB] =	sst s0  }
0x18: {  	s0 =	sld [smem:$0x3F9E];
	_ =	swait.ge [sflag:s4], $0x0  }
0x19: {  	s7 =	sld [smem:$0x3F9F]  }
0x1a: {  	s8 =	sadd.s32 $0xFFFFE003, lr  }
0x1b: {  	s9 =	sadd.s32 $0xFFFFFEF7, lr;
	s5 =	simm.s32 $0xFFFFFFFF;
	p2 =	slt.u32 s8, $0xFFFFF086  }
0x1c: {  	p1 =	slt.u32 s9, $0xF7A;
	s5 =	simm.s32 @!p2 $0x0  }
0x1d: {  	s5 =	simm.s32 @p1 $0x1;
	p0 =	seq.s32 s7, s2  }
0x1e: {  	s7 =	smul.u32 @!p0 $0xF7A, s2;
	p2 =	seq.s32 @!p0 s5, $0x0  }
0x1f: {  	s9 =	smul.u32 $0xF7A, s1;
	s8 =	simm.s32 @!p0 $0x1BF5;
	p2 =	por !p2, p0  }
0x20: {  	[sflag:s8] =	ssyncset.s32 @!p0 $0xFFFFF086;
	s6 =	sadd.s32 @!p0 s3, s7;
	s7 =	simm.s32 @!p0 $0x108  }
0x21: {  	s3 =	sadd.s32 s3, s9;
	s6 =	sadd.s32 @!p0 $0x88, s6;
	s7 =	simm.s32 @p2 $0x1082  }
0x22: {  	[simem:s7], [sflag:s8] =	dma.local @!p0 [hbm:s6], $0xF7A  }
0x23: {  	s9 =	sor.u32 $0xD0000000, s2;
	s6 =	simm.s32 $0x108;
	_ =	swait.ge @!p0 [sflag:s8], $0x0  }
0x24: {  	s3 =	sadd.s32 $0x88, s3;
	s6 =	simm.s32 @!p1 $0x1082;
	[sflag:s4] =	ssyncset.s32 $0xFFFFF086  }
0x25: {  	[simem:s6], [sflag:s4] =	dma.local [hbm:s3], $0xF7A  }
0x26: {  	[smem:$0x3F9F] =	sst s1;
	(tag) =	ssettag s2;
	_ =	strace s9  }
0x27: {  	s1 =	sld [smem:$0x3FAF]  }
0x28: {  	s2 =	sld [smem:$0x3FB0]  }
0x29: {  	s4 =	sld [smem:$0x3FB2]  }
0x2a: {  	p0 =	seq.s32 s5, $0x0;
	s5 =	sld [smem:$0x3FB3]  }
0x2b: {  	s6 =	sld [smem:$0x3FB4]  }
0x2c: {  	s7 =	sld [smem:$0x3FB5]  }
0x2d: {  	s3 =	simm.s32 $0x108;
	s8 =	sld [smem:$0x3FB6]  }
0x2e: {  	s3 =	simm.s32 @!p0 $0x1082;
	s9 =	sld [smem:$0x3FB7]  }
0x2f: {  	lr =	sadd.s32 s0, s3;
	s0 =	sld [smem:$0x3FAE]  }
0x30: {  	s3 =	sld [smem:$0x3FB1]  }
0x31: {  	[smem:$0x3FBA] =	sst s10  }
0x32: {  	s10 =	sld [smem:$0x3FB8];
	_ =	sdelay $0x3  }
0x33: {  	p0 =	seq.s32 s10, $0x1;
	s10 =	sld [smem:$0x3FBA];
	_ =	sdelay $0x3  }
0x34: {  	[smem:$0x3FBA] =	sst s10  }
0x35: {  	s10 =	sld [smem:$0x3FB9];
	_ =	sdelay $0x3  }
0x36: {  	p1 =	seq.s32 s10, $0x1;
	s10 =	sld [smem:$0x3FBA];
	_ =	sdelay $0x3  }
0x37: {  	[smem:$0x3FBA] =	sst s10  }
0x38: {  	s10 =	sld [smem:$0x3FBB]  }
0x39: {  	_ = 	snop;
	(pc) =	sbr.ind lr, $3  }
0x3a: {  	_ = 	snop  }
0x3b: {  	_ = 	snop  }
0x3c: {  	p2 =	seq.s32 s10, $0x1;
	s10 =	sld [smem:$0x3FBA]  }
0x3d: {  	_ =	shalt  }
0x3e: {  	_ =	shalt  }
0x3f: {  	_ =	shalt  }
0x40: {  	_ =	shalt  }
0x41: {  	_ =	shalt  }
0x42: {  	_ =	shalt  }
0x43: {  	_ =	shalt  }
0x44: {  	_ =	shalt  }
0x45: {  	_ =	shalt  }
0x46: {  	_ =	shalt  }
0x47: {  	_ =	shalt  }
0x48: {  	_ =	shalt  }
0x49: {  	_ =	shalt  }
0x4a: {  	_ =	shalt  }
0x4b: {  	_ =	shalt  }
0x4c: {  	_ =	shalt  }
0x4d: {  	_ =	shalt  }
0x4e: {  	_ =	shalt  }
0x4f: {  	_ =	shalt  }
0x50: {  	_ =	shalt  }
0x51: {  	_ =	shalt  }
0x52: {  	_ =	shalt  }
0x53: {  	_ =	shalt  }
0x54: {  	_ =	shalt  }
0x55: {  	_ =	shalt  }
0x56: {  	_ =	shalt  }
0x57: {  	_ =	shalt  }
0x58: {  	_ =	shalt  }
0x59: {  	_ =	shalt  }
0x5a: {  	_ =	shalt  }
0x5b: {  	_ =	shalt  }
0x5c: {  	_ =	shalt  }
0x5d: {  	_ =	shalt  }
0x5e: {  	_ =	shalt  }
0x5f: {  	_ =	shalt  }
0x60: {  	_ =	shalt  }
0x61: {  	_ =	shalt  }
0x62: {  	_ =	shalt  }
0x63: {  	_ =	shalt  }
0x64: {  	_ =	shalt  }
0x65: {  	_ =	shalt  }
0x66: {  	_ =	shalt  }
0x67: {  	_ =	shalt  }
0x68: {  	_ =	shalt  }
0x69: {  	_ =	shalt  }
0x6a: {  	_ =	shalt  }
0x6b: {  	_ =	shalt  }
0x6c: {  	_ =	shalt  }
0x6d: {  	_ =	shalt  }
0x6e: {  	_ =	shalt  }
0x6f: {  	_ =	shalt  }
0x70: {  	_ =	shalt  }
0x71: {  	_ =	shalt  }
0x72: {  	_ =	shalt  }
0x73: {  	_ =	shalt  }
0x74: {  	_ =	shalt  }
0x75: {  	_ =	shalt  }
0x76: {  	_ =	shalt  }
0x77: {  	_ =	shalt  }
0x78: {  	_ =	shalt  }
0x79: {  	_ =	shalt  }
0x7a: {  	_ =	shalt  }
0x7b: {  	_ =	shalt  }
0x7c: {  	_ =	shalt  }
0x7d: {  	_ =	shalt  }
0x7e: {  	_ =	shalt  }
0x7f: {  	_ =	shalt  }
0x80: {  	_ =	shalt  }
0x81: {  	_ =	shalt  }
0x82: {  	_ =	shalt  }
0x83: {  	_ =	shalt  }
0x84: {  	_ =	shalt  }
0x85: {  	_ =	shalt  }
0x86: {  	_ =	shalt  }
0x87: {  	_ =	shalt  }
.Lfunc_end0:
.L_simem_size_0:
called_computation_lowered:
.L_overlay_start_0:
0x88: {  	s2 =	sld [smem:$0x3FD9]  }
0x89: {  	s3 =	sld [smem:$0x3FFE];
	_ =	sdelay $0x1  }
0x8a: {  	s1 =	srdreg.scid  }
0x8b: {  	s0 =	sand.u32 $0x1, s1  }
0x8c: {  	s15 =	sshll.u32 s0, $0xA;
	s2 =	sadd.s32 s3, s2  }
0x8d: {  	s2 =	sadd.s32 s2, s15  }
0x8e: {  	[smem:$0x3FC6] =	sst s2  }
0x8f: {  	_ = 	snop  }
0x90: {  	s2 =	sld [smem:$0x3FD0];
	_ =	sdelay $0x1  }
0x91: {  	s16 =	sld [smem:$0x3FC9]  }
0x92: {  	s5 =	simm.s32 $0xA;
	s6 =	simm.s32 $0x10;
	s4 =	sld [smem:$0x3FC8]  }
0x93: {  	[smem:s6], [sflag:s5] =	dma.local [hbm:s2], $0x1  }
0x94: {  	_ =	swait.eq [sflag:s5], $0x1  }
0x95: {  	[sflag:s5] =	ssyncset.done $0x0  }
0x96: {  	s17 =	sld [smem:$0x10];
	[sflag:s5] =	ssyncadd.s32 $0xFFFFFFFF  }
0x97: {  	s18 =	sld [smem:$0x11];
	(tm) =	ssettm $0x1  }
0x98: {  	s19 =	sld [smem:$0x3FFB];
	_ =	sdelay $0x3  }
0x99: {  	_ =	strace s19  }
0x9a: {  	s6 =	sld [smem:$0x3FFC];
	_ =	sdelay $0x3  }
0x9b: {  	_ =	strace s6  }
0x9c: {  	s6 =	sld [smem:$0x3FFD];
	_ =	sdelay $0x3  }
0x9d: {  	_ =	strace s6  }
0x9e: {  	_ =	strace $0x8FFFFFFF  }
0x9f: {  	s20 =	sld [smem:$0x3FDB];
	_ =	sdelay $0x1  }
0xa0: {  	s7 =	simm.s32 $_scs_section_size  }
0xa1: {  	s8 =	simm.s32 $_size__tile_overlayer_lowered;
	s9 =	simm.s32 $_tile_overlayer_lowered  }
0xa2: {  	s23 =	simm.s32 $0x1BFF;
	s22 =	sshll.u32 s9, $0x1;
	s6 =	sadd.s32 s7, s20  }
0xa3: {  	s10 =	simm.s32 $0x0;
	s21 =	sshll.u32 s8, $0x1;
	s8 =	sadd.s32 s22, s6  }
0xa4: {  	[timem:s10], [sflag:s23] =	dma.local [hbm:s8], s21  }
0xa5: {  	_ =	swait.ge [sflag:s23], s21  }
0xa6: {  	s7 =	ssub.s32 $0x0, s21;
	[sflag:s23] =	ssyncset.done $0x0  }
0xa7: {  	[sflag:s23] =	ssyncadd.s32 s7;
	_ =	sdelay $0x1  }
0xa8: {  	s24 =	simm.s32 $0x1B8B  }
0xa9: {  	_ =	swait.ge [sflag:s24], $0x1  }
0xaa: {  	[sflag:s24] =	ssyncset.done $0x0  }
0xab: {  	s25 =	simm.s32 $0x1B8E;
	[sflag:s24] =	ssyncadd.s32 $0xFFFFFFFF  }
0xac: {  	s26 =	simm.s32 $execute0_lowered;
	[smem:$0x3FD2] =	sst s25  }
0xad: {  	s7 =	sshll.u32 s26, $0x1;
	_ =	strace $0x80000046;
	[dreg:$0x1] =	wrdreg $0xFFFFFFFF  }
0xae: {  	s28 =	simm.s32 $_size_execute0_lowered;
	s6 =	sadd.s32 s6, s7;
	[dreg:$0x0] =	wrdreg $0x0  }
0xaf: {  	s7 =	sshll.u32 s28, $0x1;
	[dreg:$0x2] =	wrdreg s6  }
0xb0: {  	[dreg:$0x3] =	wrdreg s7  }
0xb1: {  	[dreg:$0x4] =	wrdreg $0xC0  }
0xb2: {  	_ =	task [dreg:s10], $0x5FFFF  }
0xb3: {  	[dreg:$0x1] =	wrdreg $0xFFFFFFFF  }
0xb4: {  	[dreg:$0x0] =	wrdreg $0x60  }
0xb5: {  	[dreg:$0x2] =	wrdreg s4  }
0xb6: {  	[dreg:$0x3] =	wrdreg s16  }
0xb7: {  	[dreg:$0x4] =	wrdreg s18  }
0xb8: {  	[dreg:$0x5] =	wrdreg s17  }
0xb9: {  	[dreg:$0x6] =	wrdreg $0x9  }
0xba: {  	_ =	task.clear_ibuf [dreg:s10], $0x7FFFF;
	_ =	strace $0x90000046  }
0xbb: {  	s29 =	simm.s32 $0x9;
	_ =	strace $0x80000048  }
0xbc: {  	_ =	swait.ge [sflag:s29], $0x1  }
0xbd: {  	[sflag:s29] =	ssyncadd.s32 $0xFFFFFFFF  }
0xbe: {  	_ =	strace $0x90000048  }
0xbf: {  	_ =	sfence  }
0xc0: {  	s30 =	sld [smem:$0x0];
	_ =	sdelay $0x2  }
0xc1: {  	s31 =	sshll.u32 s1, $0xD;
	s1 =	sshrl.u32 s1, $0x2  }
0xc2: {  	s3 =	sand.u32 $0x4000, s31;
	s1 =	sadd.s32 s1, s30  }
0xc3: {  	s0 =	sor.u32 s3, s0;
	s1 =	sshll.u32 s1, $0x11  }
0xc4: {  	s0 =	sor.u32 s1, s0  }
0xc5: {  	s0 =	sadd.s32 $0x8F2B, s0  }
0xc6: {  	[sflag:s0] =	ssyncadd.remote.s32 $0x1  }
0xc7: {  	_ =	sfence.sel $0xFFFF  }
0xc8: {  	[dreg:$0x0] =	wrdreg $0xFFFFFFFF;
	(pc) =	sbr.abs _section_cstart, $3  }
0xc9: {  	[dreg:$0x1] =	wrdreg $0xFFFFFFFF  }
0xca: {  	_ =	task.clear_ibuf [dreg:s10], $0x2FFFF;
	_ =	strace $0x9FFFFFFF  }
0xcb: {  	(tm) =	ssettm $0x7FFFFFFF  }
tec
execute0_lowered:
.L_overlay_start_1:
0x0: {  	(tag) =	ssettag $0x1  }
0x1: {  	s6 =	rddreg [dreg:$0x0]  }
0x2: {  	s1 =	srdreg.scid;
	s7 =	rddreg [dreg:$0x2]  }
0x3: {  	s0 =	stileid.u32;
	s8 =	simm.s32 $0x1;
	s10 =	rddreg [dreg:$0x3]  }
0x4: {  	s2 =	rddreg [dreg:$0x4];
	s3 =	simm.s32 $0x0;
	s15 =	simm.s32 $0x1  }
0x5: {  	s17 =	simm.s32 $0x1800;
	s18 =	simm.s32 $0x1680;
	s19 =	simm.s32 $0x1880  }
0x6: {  	s28 =	simm.s32 $0x7;
	s4 =	sand.u32 $0x1, s1;
	s1 =	rddreg [dreg:$0x1]  }
0x7: {  	s29 =	simm.s32 $0x3;
	s20 =	sshll.u32 s0, $0x1;
	[smem:$0x7FF] =	sst s3  }
0x8: {  	s21 =	sshrl.u32 s0, $0x2;
	s5 =	sor.u32 s4, s20;
	p1 =	seq.s32 s4, $0x1  }
0x9: {  	s4 =	ssub.s32 $0x2, s4;
	_ =	strace $0x80000047;
	p0 =	seq.s32 s5, $0x0  }
0xa: {  	s12 =	smul.u32 $0x3000, s21;
	s20 =	simm.s32 $0x1700;
	p0 =	por !p0, !p1  }
0xb: {  	s21 =	simm.s32 $0x1900;
	s11 =	sshrl.u32 s4, $0x1;
	p0 =	por !p0, !p0  }
0xc: {  	s13 =	sshll.u32 s5, $0x7;
	s5 =	sshll.u32 s5, $0xC;
	s8 =	simm.s32 @!p0 $0x0  }
0xd: {  	s11 =	ssub.s32 s4, s11;
	s13 =	sand.u32 $0x380, s13;
	s8 =	ssub.s32 s0, s8  }
0xe: {  	s4 =	simm.s32 $0x1;
	s12 =	sor.u32 s12, s13;
	s9 =	sand.u32 $0xE0, s8  }
0xf: {  	s11 =	smax.u32 s11, $0x1;
	s12 =	sshrl.u32 s12, $0x3;
	s9 =	sshrl.u32 s9, $0x5  }
0x10: {  	p5 =	slt.s32 s8, $0x1;
	s22 =	sshll.u32 s8, $0xC;
	s9 =	sadd.s32 s9, s8  }
0x11: {  	s16 =	sshll.u32 s8, $0x7;
	s13 =	sand.u32 $0xFFFF8000, s22;
	s14 =	sand.u32 $0xFFFFFFF8, s9  }
0x12: {  	s23 =	sand.u32 $0x380, s16;
	s16 =	simm.s32 $0x1600;
	s14 =	ssub.s32 s8, s14  }
0x13: {  	s22 =	simm.s32 $0x1780;
	s25 =	sor.u32 s23, s13;
	p6 =	sne.s32 s14, $0x0  }
0x14: {  	s13 =	simm.s32 $0x400;
	s23 =	simm.s32 $0x1980;
	p0 =	por !p5, !p6  }
0x15: {  	s9 =	sshrl.u32 s9, $0x3;
	s8 =	sshll.u32 s8, $0xD;
	p0 =	por !p0, !p0  }
0x16: {  	s14 =	sshll.u32 s14, $0x7;
	s8 =	ssub.s32 s5, s8;
	s15 =	simm.s32 @!p0 $0x0  }
0x17: {  	s5 =	sadd.s32 s7, s12;
	s7 =	sshrl.u32 s25, $0x3;
	s9 =	ssub.s32 s9, s15  }
0x18: {  	s25 =	simm.s32 $0x5;
	s14 =	sand.u32 $0x380, s14;
	s9 =	sshll.u32 s9, $0xD  }
0x19: {  	s6 =	sadd.s32 s6, s7;
	s24 =	sadd.s32 s8, s9;
	s8 =	sor.u32 s14, s8  }
0x1a: {  	s15 =	simm.s32 $0x2;
	s26 =	sor.u32 s14, s24;
	s8 =	sadd.s32 s8, s9  }
0x1b: {  	s14 =	simm.s32 $0x600;
	s24 =	simm.s32 $0x4;
	s12 =	sshrl.u32 s26, $0x3  }
0x1c: {  	s9 =	sor.u32 $0x400, s8;
	s30 =	sor.u32 $0x800, s8;
	s8 =	sor.u32 $0xC00, s8  }
0x1d: {  	s26 =	simm.s32 $0x6;
	s7 =	sadd.s32 s10, s12;
	s9 =	sshrl.u32 s9, $0x3  }
0x1e: {  	s12 =	sshrl.u32 s30, $0x3;
	s31 =	sshrl.u32 s8, $0x3;
	s8 =	sadd.s32 s10, s9  }
0x1f: {  	s9 =	sadd.s32 s10, s12;
	s10 =	sadd.s32 s10, s31;
	s12 =	simm.s32 $0x80  }
.LBB2_1:
0x20: {  	[tilespmem:s3], [sflag:$0x1] =	stream.strided.gather [hbm4b:s5+s12], $0x600, s13, s12, $0x38;
	[tilespmem:$0x1A00] =	vst v63  }
0x21: {  	_ = 	snop  }
0x22: {  	[tilespmem:s14], [sflag:$0x2] =	stream.strided.gather [hbm4b:s6+s12], $0x1000, s13, s12, $0x38;
	[tilespmem:$0x1A00] =	vst v63  }
0x23: {  	_ =	swait.ge [sflag:s4], $0x600  }
0x24: {  	[sflag:s4] =	ssyncset.done $0x0  }
0x25: {  	[sflag:s4] =	ssyncadd.s32 $0xFFFFFA00  }
0x26: {  	_ =	swait.ge [sflag:s15], $0x1000  }
0x27: {  	[sflag:s15] =	ssyncset.done $0x0  }
0x28: {  	[sflag:s15] =	ssyncadd.s32 $0xFFFFF000  }
0x29: {  	v0 =	vld [tilespmem:$0x200];
	_ =	sdelay $0x7  }
0x2a: {  	v0 =	vld.idx.msk [tilespmem:v0+s14+$0x0], $0xffff;
	_ =	sdelay $0x2  }
0x2b: {  	v1 =	vld [tilespmem:$0x400];
	_ =	sdelay $0x1  }
0x2c: {  	v2 =	vld [tilespmem:$0x210];
	v0 =	vmul.u32 $0x3, v0  }
0x2d: {  	v3 =	vld [tilespmem:$0x0]  }
0x2e: {  	v0 =	vadd.s32 $0xFFFFFFFD, v0  }
0x2f: {  	v0 =	vshrl.u32 v1, v0  }
0x30: {  	v0 =	vshll.u32 v0, $0x7  }
0x31: {  	v0 =	vand.u32 $0x380, v0  }
0x32: {  	v0 =	vadd.s32 v3, v0  }
0x33: {  	[tilespmem:$0x1600] =	vst v0  }
0x34: {  	v0 =	vld.idx.msk [tilespmem:v2+s14+$0x0], $0xffff;
	_ =	sdelay $0x2  }
0x35: {  	v30 =	vld [tilespmem:$0x410];
	_ =	sdelay $0x1  }
0x36: {  	v31 =	vld [tilespmem:$0x220];
	v0 =	vmul.u32 $0x3, v0  }
0x37: {  	v32 =	vld [tilespmem:$0x10]  }
0x38: {  	v0 =	vadd.s32 $0xFFFFFFFD, v0  }
0x39: {  	v0 =	vshrl.u32 v30, v0  }
0x3a: {  	v0 =	vshll.u32 v0, $0x7  }
0x3b: {  	v0 =	vand.u32 $0x380, v0  }
0x3c: {  	v0 =	vadd.s32 v32, v0  }
0x3d: {  	[tilespmem:$0x1610] =	vst v0  }
0x3e: {  	v0 =	vld.idx.msk [tilespmem:v31+s14+$0x0], $0xffff;
	_ =	sdelay $0x2  }
0x3f: {  	v33 =	vld [tilespmem:$0x420];
	_ =	sdelay $0x1  }
0x40: {  	v34 =	vld [tilespmem:$0x230];
	v0 =	vmul.u32 $0x3, v0  }
0x41: {  	v35 =	vld [tilespmem:$0x20]  }
0x42: {  	v0 =	vadd.s32 $0xFFFFFFFD, v0  }
0x43: {  	v0 =	vshrl.u32 v33, v0  }
0x44: {  	v0 =	vshll.u32 v0, $0x7  }
0x45: {  	v0 =	vand.u32 $0x380, v0  }
0x46: {  	v0 =	vadd.s32 v35, v0  }
0x47: {  	[tilespmem:$0x1620] =	vst v0  }
0x48: {  	v0 =	vld.idx.msk [tilespmem:v34+s14+$0x0], $0xffff;
	_ =	sdelay $0x2  }
0x49: {  	v36 =	vld [tilespmem:$0x430];
	_ =	sdelay $0x1  }
0x4a: {  	v37 =	vld [tilespmem:$0x240];
	v0 =	vmul.u32 $0x3, v0  }
0x4b: {  	v38 =	vld [tilespmem:$0x30]  }
0x4c: {  	v0 =	vadd.s32 $0xFFFFFFFD, v0  }
0x4d: {  	v0 =	vshrl.u32 v36, v0  }
0x4e: {  	v0 =	vshll.u32 v0, $0x7  }
0x4f: {  	v0 =	vand.u32 $0x380, v0  }
0x50: {  	v0 =	vadd.s32 v38, v0  }
0x51: {  	[tilespmem:$0x1630] =	vst v0  }
0x52: {  	v0 =	vld.idx.msk [tilespmem:v37+s14+$0x0], $0xffff;
	_ =	sdelay $0x2  }
0x53: {  	v39 =	vld [tilespmem:$0x440];
	_ =	sdelay $0x1  }
0x54: {  	v40 =	vld [tilespmem:$0x250];
	v0 =	vmul.u32 $0x3, v0  }
0x55: {  	v41 =	vld [tilespmem:$0x40]  }
0x56: {  	v0 =	vadd.s32 $0xFFFFFFFD, v0  }
0x57: {  	v0 =	vshrl.u32 v39, v0  }
0x58: {  	v0 =	vshll.u32 v0, $0x7  }
0x59: {  	v0 =	vand.u32 $0x380, v0  }
0x5a: {  	v0 =	vadd.s32 v41, v0  }
0x5b: {  	[tilespmem:$0x1640] =	vst v0  }
0x5c: {  	v0 =	vld.idx.msk [tilespmem:v40+s14+$0x0], $0xffff;
	_ =	sdelay $0x2  }
0x5d: {  	v42 =	vld [tilespmem:$0x450];
	_ =	sdelay $0x1  }
0x5e: {  	v43 =	vld [tilespmem:$0x260];
	v0 =	vmul.u32 $0x3, v0  }
0x5f: {  	v44 =	vld [tilespmem:$0x50]  }
0x60: {  	v0 =	vadd.s32 $0xFFFFFFFD, v0  }
0x61: {  	v0 =	vshrl.u32 v42, v0  }
0x62: {  	v0 =	vshll.u32 v0, $0x7  }
0x63: {  	v0 =	vand.u32 $0x380, v0  }
0x64: {  	v0 =	vadd.s32 v44, v0  }
0x65: {  	[tilespmem:$0x1650] =	vst v0  }
0x66: {  	v0 =	vld.idx.msk [tilespmem:v43+s14+$0x0], $0xffff;
	_ =	sdelay $0x2  }
0x67: {  	v45 =	vld [tilespmem:$0x460];
	_ =	sdelay $0x1  }
0x68: {  	v46 =	vld [tilespmem:$0x270];
	v0 =	vmul.u32 $0x3, v0  }
0x69: {  	v47 =	vld [tilespmem:$0x60]  }
0x6a: {  	v0 =	vadd.s32 $0xFFFFFFFD, v0  }
0x6b: {  	v0 =	vshrl.u32 v45, v0  }
0x6c: {  	v0 =	vshll.u32 v0, $0x7  }
0x6d: {  	v0 =	vand.u32 $0x380, v0  }
0x6e: {  	v0 =	vadd.s32 v47, v0  }
0x6f: {  	[tilespmem:$0x1660] =	vst v0  }
0x70: {  	v0 =	vld.idx.msk [tilespmem:v46+s14+$0x0], $0xffff;
	_ =	sdelay $0x2  }
0x71: {  	v48 =	vld [tilespmem:$0x470];
	_ =	sdelay $0x1  }
0x72: {  	v0 =	vmul.u32 $0x3, v0  }
0x73: {  	v49 =	vld [tilespmem:$0x70]  }
0x74: {  	v0 =	vadd.s32 $0xFFFFFFFD, v0  }
0x75: {  	v0 =	vshrl.u32 v48, v0  }
0x76: {  	v0 =	vshll.u32 v0, $0x7  }
0x77: {  	v0 =	vand.u32 $0x380, v0  }
0x78: {  	v0 =	vadd.s32 v49, v0  }
0x79: {  	[tilespmem:$0x1670] =	vst v0  }
0x7a: {  	[tilespmem:s17], [sflag:$0x4] =	stream.indirect.gather [hbm4b:s1+s12], $0x1, s16, s12, $0xb8;
	[tilespmem:$0x1A00] =	vst v63  }
0x7b: {  	v50 =	vld [tilespmem:$0x280];
	_ =	sdelay $0x7  }
0x7c: {  	v0 =	vld.idx.msk [tilespmem:v50+s14+$0x0], $0xffff;
	_ =	sdelay $0x2  }
0x7d: {  	v51 =	vld [tilespmem:$0x480];
	_ =	sdelay $0x1  }
0x7e: {  	v52 =	vld [tilespmem:$0x290];
	v0 =	vmul.u32 $0x3, v0  }
0x7f: {  	v53 =	vld [tilespmem:$0x80]  }
0x80: {  	v0 =	vadd.s32 $0xFFFFFFFD, v0  }
0x81: {  	v0 =	vshrl.u32 v51, v0  }
0x82: {  	v0 =	vshll.u32 v0, $0x7  }
0x83: {  	v0 =	vand.u32 $0x380, v0  }
0x84: {  	v0 =	vadd.s32 v53, v0  }
0x85: {  	[tilespmem:$0x1680] =	vst v0  }
0x86: {  	v0 =	vld.idx.msk [tilespmem:v52+s14+$0x0], $0xffff;
	_ =	sdelay $0x2  }
0x87: {  	v54 =	vld [tilespmem:$0x490];
	_ =	sdelay $0x1  }
0x88: {  	v55 =	vld [tilespmem:$0x2A0];
	v0 =	vmul.u32 $0x3, v0  }
0x89: {  	v56 =	vld [tilespmem:$0x90]  }
0x8a: {  	v0 =	vadd.s32 $0xFFFFFFFD, v0  }
0x8b: {  	v0 =	vshrl.u32 v54, v0  }
0x8c: {  	v0 =	vshll.u32 v0, $0x7  }
0x8d: {  	v0 =	vand.u32 $0x380, v0  }
0x8e: {  	v0 =	vadd.s32 v56, v0  }
0x8f: {  	[tilespmem:$0x1690] =	vst v0  }
0x90: {  	v0 =	vld.idx.msk [tilespmem:v55+s14+$0x0], $0xffff;
	_ =	sdelay $0x2  }
0x91: {  	v57 =	vld [tilespmem:$0x4A0];
	_ =	sdelay $0x1  }
0x92: {  	v58 =	vld [tilespmem:$0x2B0];
	v0 =	vmul.u32 $0x3, v0  }
0x93: {  	v59 =	vld [tilespmem:$0xA0]  }
0x94: {  	v0 =	vadd.s32 $0xFFFFFFFD, v0  }
0x95: {  	v0 =	vshrl.u32 v57, v0  }
0x96: {  	v0 =	vshll.u32 v0, $0x7  }
0x97: {  	v0 =	vand.u32 $0x380, v0  }
0x98: {  	v0 =	vadd.s32 v59, v0  }
0x99: {  	[tilespmem:$0x16A0] =	vst v0  }
0x9a: {  	v0 =	vld.idx.msk [tilespmem:v58+s14+$0x0], $0xffff;
	_ =	sdelay $0x2  }
0x9b: {  	v60 =	vld [tilespmem:$0x4B0];
	_ =	sdelay $0x1  }
0x9c: {  	v61 =	vld [tilespmem:$0x2C0];
	v0 =	vmul.u32 $0x3, v0  }
0x9d: {  	v62 =	vld [tilespmem:$0xB0]  }
0x9e: {  	v0 =	vadd.s32 $0xFFFFFFFD, v0  }
0x9f: {  	v0 =	vshrl.u32 v60, v0  }
0xa0: {  	v0 =	vshll.u32 v0, $0x7  }
0xa1: {  	v0 =	vand.u32 $0x380, v0  }
0xa2: {  	v0 =	vadd.s32 v62, v0  }
0xa3: {  	[tilespmem:$0x16B0] =	vst v0  }
0xa4: {  	v0 =	vld.idx.msk [tilespmem:v61+s14+$0x0], $0xffff;
	_ =	sdelay $0x2  }
0xa5: {  	v63 =	vld [tilespmem:$0x4C0];
	_ =	sdelay $0x1  }
0xa6: {  	v6 =	vld [tilespmem:$0x2D0];
	v0 =	vmul.u32 $0x3, v0  }
0xa7: {  	v7 =	vld [tilespmem:$0xC0]  }
0xa8: {  	v0 =	vadd.s32 $0xFFFFFFFD, v0  }
0xa9: {  	v0 =	vshrl.u32 v63, v0  }
0xaa: {  	v0 =	vshll.u32 v0, $0x7  }
0xab: {  	v0 =	vand.u32 $0x380, v0  }
0xac: {  	v0 =	vadd.s32 v7, v0  }
0xad: {  	[tilespmem:$0x16C0] =	vst v0  }
0xae: {  	v0 =	vld.idx.msk [tilespmem:v6+s14+$0x0], $0xffff;
	_ =	sdelay $0x2  }
0xaf: {  	v8 =	vld [tilespmem:$0x4D0];
	_ =	sdelay $0x1  }
0xb0: {  	v9 =	vld [tilespmem:$0x2E0];
	v0 =	vmul.u32 $0x3, v0  }
0xb1: {  	v10 =	vld [tilespmem:$0xD0]  }
0xb2: {  	v0 =	vadd.s32 $0xFFFFFFFD, v0  }
0xb3: {  	v0 =	vshrl.u32 v8, v0  }
0xb4: {  	v0 =	vshll.u32 v0, $0x7  }
0xb5: {  	v0 =	vand.u32 $0x380, v0  }
0xb6: {  	v0 =	vadd.s32 v10, v0  }
0xb7: {  	[tilespmem:$0x16D0] =	vst v0  }
0xb8: {  	v0 =	vld.idx.msk [tilespmem:v9+s14+$0x0], $0xffff;
	_ =	sdelay $0x2  }
0xb9: {  	v11 =	vld [tilespmem:$0x4E0];
	_ =	sdelay $0x1  }
0xba: {  	v12 =	vld [tilespmem:$0x2F0];
	v0 =	vmul.u32 $0x3, v0  }
0xbb: {  	v13 =	vld [tilespmem:$0xE0]  }
0xbc: {  	v0 =	vadd.s32 $0xFFFFFFFD, v0  }
0xbd: {  	v0 =	vshrl.u32 v11, v0  }
0xbe: {  	v0 =	vshll.u32 v0, $0x7  }
0xbf: {  	v0 =	vand.u32 $0x380, v0  }
0xc0: {  	v0 =	vadd.s32 v13, v0  }
0xc1: {  	[tilespmem:$0x16E0] =	vst v0  }
0xc2: {  	v0 =	vld.idx.msk [tilespmem:v12+s14+$0x0], $0xffff;
	_ =	sdelay $0x2  }
0xc3: {  	v14 =	vld [tilespmem:$0x4F0];
	_ =	sdelay $0x1  }
0xc4: {  	v0 =	vmul.u32 $0x3, v0  }
0xc5: {  	v15 =	vld [tilespmem:$0xF0]  }
0xc6: {  	v0 =	vadd.s32 $0xFFFFFFFD, v0  }
0xc7: {  	v0 =	vshrl.u32 v14, v0  }
0xc8: {  	v0 =	vshll.u32 v0, $0x7  }
0xc9: {  	v0 =	vand.u32 $0x380, v0  }
0xca: {  	v0 =	vadd.s32 v15, v0  }
0xcb: {  	[tilespmem:$0x16F0] =	vst v0  }
0xcc: {  	[tilespmem:s19], [sflag:$0x5] =	stream.indirect.gather [hbm4b:s1+s12], $0x1, s18, s12, $0xb8;
	[tilespmem:$0x1A00] =	vst v63  }
0xcd: {  	v16 =	vld [tilespmem:$0x300];
	_ =	sdelay $0x7  }
0xce: {  	v0 =	vld.idx.msk [tilespmem:v16+s14+$0x0], $0xffff;
	_ =	sdelay $0x2  }
0xcf: {  	v17 =	vld [tilespmem:$0x500];
	_ =	sdelay $0x1  }
0xd0: {  	v18 =	vld [tilespmem:$0x310];
	v0 =	vmul.u32 $0x3, v0  }
0xd1: {  	v19 =	vld [tilespmem:$0x100]  }
0xd2: {  	v0 =	vadd.s32 $0xFFFFFFFD, v0  }
0xd3: {  	v0 =	vshrl.u32 v17, v0  }
0xd4: {  	v0 =	vshll.u32 v0, $0x7  }
0xd5: {  	v0 =	vand.u32 $0x380, v0  }
0xd6: {  	v0 =	vadd.s32 v19, v0  }
0xd7: {  	[tilespmem:$0x1700] =	vst v0  }
0xd8: {  	v0 =	vld.idx.msk [tilespmem:v18+s14+$0x0], $0xffff;
	_ =	sdelay $0x2  }
0xd9: {  	v20 =	vld [tilespmem:$0x510];
	_ =	sdelay $0x1  }
0xda: {  	v21 =	vld [tilespmem:$0x320];
	v0 =	vmul.u32 $0x3, v0  }
0xdb: {  	v22 =	vld [tilespmem:$0x110]  }
0xdc: {  	v0 =	vadd.s32 $0xFFFFFFFD, v0  }
0xdd: {  	v0 =	vshrl.u32 v20, v0  }
0xde: {  	v0 =	vshll.u32 v0, $0x7  }
0xdf: {  	v0 =	vand.u32 $0x380, v0  }
0xe0: {  	v0 =	vadd.s32 v22, v0  }
0xe1: {  	[tilespmem:$0x1710] =	vst v0  }
0xe2: {  	v0 =	vld.idx.msk [tilespmem:v21+s14+$0x0], $0xffff;
	_ =	sdelay $0x2  }
0xe3: {  	v23 =	vld [tilespmem:$0x520];
	_ =	sdelay $0x1  }
0xe4: {  	v24 =	vld [tilespmem:$0x330];
	v0 =	vmul.u32 $0x3, v0  }
0xe5: {  	v25 =	vld [tilespmem:$0x120]  }
0xe6: {  	v0 =	vadd.s32 $0xFFFFFFFD, v0  }
0xe7: {  	v0 =	vshrl.u32 v23, v0  }
0xe8: {  	v0 =	vshll.u32 v0, $0x7  }
0xe9: {  	v0 =	vand.u32 $0x380, v0  }
0xea: {  	v0 =	vadd.s32 v25, v0  }
0xeb: {  	[tilespmem:$0x1720] =	vst v0  }
0xec: {  	v0 =	vld.idx.msk [tilespmem:v24+s14+$0x0], $0xffff;
	_ =	sdelay $0x2  }
0xed: {  	v26 =	vld [tilespmem:$0x530];
	_ =	sdelay $0x1  }
0xee: {  	v27 =	vld [tilespmem:$0x340];
	v0 =	vmul.u32 $0x3, v0  }
0xef: {  	v28 =	vld [tilespmem:$0x130]  }
0xf0: {  	v0 =	vadd.s32 $0xFFFFFFFD, v0  }
0xf1: {  	v0 =	vshrl.u32 v26, v0  }
0xf2: {  	v0 =	vshll.u32 v0, $0x7  }
0xf3: {  	v0 =	vand.u32 $0x380, v0  }
0xf4: {  	v0 =	vadd.s32 v28, v0  }
0xf5: {  	[tilespmem:$0x1730] =	vst v0  }
0xf6: {  	v0 =	vld.idx.msk [tilespmem:v27+s14+$0x0], $0xffff;
	_ =	sdelay $0x2  }
0xf7: {  	v29 =	vld [tilespmem:$0x540];
	_ =	sdelay $0x1  }
0xf8: {  	v30 =	vld [tilespmem:$0x350];
	v0 =	vmul.u32 $0x3, v0  }
0xf9: {  	v31 =	vld [tilespmem:$0x140]  }
0xfa: {  	v0 =	vadd.s32 $0xFFFFFFFD, v0  }
0xfb: {  	v0 =	vshrl.u32 v29, v0  }
0xfc: {  	v0 =	vshll.u32 v0, $0x7  }
0xfd: {  	v0 =	vand.u32 $0x380, v0  }
0xfe: {  	v0 =	vadd.s32 v31, v0  }
0xff: {  	[tilespmem:$0x1740] =	vst v0  }
0x100: {  	v0 =	vld.idx.msk [tilespmem:v30+s14+$0x0], $0xffff;
	_ =	sdelay $0x2  }
0x101: {  	v32 =	vld [tilespmem:$0x550];
	_ =	sdelay $0x1  }
0x102: {  	v33 =	vld [tilespmem:$0x360];
	v0 =	vmul.u32 $0x3, v0  }
0x103: {  	v34 =	vld [tilespmem:$0x150]  }
0x104: {  	v0 =	vadd.s32 $0xFFFFFFFD, v0  }
0x105: {  	v0 =	vshrl.u32 v32, v0  }
0x106: {  	v0 =	vshll.u32 v0, $0x7  }
0x107: {  	v0 =	vand.u32 $0x380, v0  }
0x108: {  	v0 =	vadd.s32 v34, v0  }
0x109: {  	[tilespmem:$0x1750] =	vst v0  }
0x10a: {  	v0 =	vld.idx.msk [tilespmem:v33+s14+$0x0], $0xffff;
	_ =	sdelay $0x2  }
0x10b: {  	v35 =	vld [tilespmem:$0x560];
	_ =	sdelay $0x1  }
0x10c: {  	v36 =	vld [tilespmem:$0x370];
	v0 =	vmul.u32 $0x3, v0  }
0x10d: {  	v37 =	vld [tilespmem:$0x160]  }
0x10e: {  	v0 =	vadd.s32 $0xFFFFFFFD, v0  }
0x10f: {  	v0 =	vshrl.u32 v35, v0  }
0x110: {  	v0 =	vshll.u32 v0, $0x7  }
0x111: {  	v0 =	vand.u32 $0x380, v0  }
0x112: {  	v0 =	vadd.s32 v37, v0  }
0x113: {  	[tilespmem:$0x1760] =	vst v0  }
0x114: {  	v0 =	vld.idx.msk [tilespmem:v36+s14+$0x0], $0xffff;
	_ =	sdelay $0x2  }
0x115: {  	v38 =	vld [tilespmem:$0x570];
	_ =	sdelay $0x1  }
0x116: {  	v0 =	vmul.u32 $0x3, v0  }
0x117: {  	v39 =	vld [tilespmem:$0x170]  }
0x118: {  	v0 =	vadd.s32 $0xFFFFFFFD, v0  }
0x119: {  	v0 =	vshrl.u32 v38, v0  }
0x11a: {  	v0 =	vshll.u32 v0, $0x7  }
0x11b: {  	v0 =	vand.u32 $0x380, v0  }
0x11c: {  	v0 =	vadd.s32 v39, v0  }
0x11d: {  	[tilespmem:$0x1770] =	vst v0  }
0x11e: {  	[tilespmem:s21], [sflag:$0x6] =	stream.indirect.gather [hbm4b:s1+s12], $0x1, s20, s12, $0xb8;
	[tilespmem:$0x1A00] =	vst v63  }
0x11f: {  	v40 =	vld [tilespmem:$0x380];
	_ =	sdelay $0x7  }
0x120: {  	v0 =	vld.idx.msk [tilespmem:v40+s14+$0x0], $0xffff;
	_ =	sdelay $0x2  }
0x121: {  	v41 =	vld [tilespmem:$0x580];
	_ =	sdelay $0x1  }
0x122: {  	v42 =	vld [tilespmem:$0x390];
	v0 =	vmul.u32 $0x3, v0  }
0x123: {  	v43 =	vld [tilespmem:$0x180]  }
0x124: {  	v0 =	vadd.s32 $0xFFFFFFFD, v0  }
0x125: {  	v0 =	vshrl.u32 v41, v0  }
0x126: {  	v0 =	vshll.u32 v0, $0x7  }
0x127: {  	v0 =	vand.u32 $0x380, v0  }
0x128: {  	v0 =	vadd.s32 v43, v0  }
0x129: {  	[tilespmem:$0x1780] =	vst v0  }
0x12a: {  	v0 =	vld.idx.msk [tilespmem:v42+s14+$0x0], $0xffff;
	_ =	sdelay $0x2  }
0x12b: {  	v44 =	vld [tilespmem:$0x590];
	_ =	sdelay $0x1  }
0x12c: {  	v45 =	vld [tilespmem:$0x3A0];
	v0 =	vmul.u32 $0x3, v0  }
0x12d: {  	v46 =	vld [tilespmem:$0x190]  }
0x12e: {  	v0 =	vadd.s32 $0xFFFFFFFD, v0  }
0x12f: {  	v0 =	vshrl.u32 v44, v0  }
0x130: {  	v0 =	vshll.u32 v0, $0x7  }
0x131: {  	v0 =	vand.u32 $0x380, v0  }
0x132: {  	v0 =	vadd.s32 v46, v0  }
0x133: {  	[tilespmem:$0x1790] =	vst v0  }
0x134: {  	v0 =	vld.idx.msk [tilespmem:v45+s14+$0x0], $0xffff;
	_ =	sdelay $0x2  }
0x135: {  	v47 =	vld [tilespmem:$0x5A0];
	_ =	sdelay $0x1  }
0x136: {  	v48 =	vld [tilespmem:$0x3B0];
	v0 =	vmul.u32 $0x3, v0  }
0x137: {  	v49 =	vld [tilespmem:$0x1A0]  }
0x138: {  	v0 =	vadd.s32 $0xFFFFFFFD, v0  }
0x139: {  	v0 =	vshrl.u32 v47, v0  }
0x13a: {  	v0 =	vshll.u32 v0, $0x7  }
0x13b: {  	v0 =	vand.u32 $0x380, v0  }
0x13c: {  	v0 =	vadd.s32 v49, v0  }
0x13d: {  	[tilespmem:$0x17A0] =	vst v0  }
0x13e: {  	v0 =	vld.idx.msk [tilespmem:v48+s14+$0x0], $0xffff;
	_ =	sdelay $0x2  }
0x13f: {  	v50 =	vld [tilespmem:$0x5B0];
	_ =	sdelay $0x1  }
0x140: {  	v51 =	vld [tilespmem:$0x3C0];
	v0 =	vmul.u32 $0x3, v0  }
0x141: {  	v52 =	vld [tilespmem:$0x1B0]  }
0x142: {  	v0 =	vadd.s32 $0xFFFFFFFD, v0  }
0x143: {  	v0 =	vshrl.u32 v50, v0  }
0x144: {  	v0 =	vshll.u32 v0, $0x7  }
0x145: {  	v0 =	vand.u32 $0x380, v0  }
0x146: {  	v0 =	vadd.s32 v52, v0  }
0x147: {  	[tilespmem:$0x17B0] =	vst v0  }
0x148: {  	v0 =	vld.idx.msk [tilespmem:v51+s14+$0x0], $0xffff;
	_ =	sdelay $0x2  }
0x149: {  	v53 =	vld [tilespmem:$0x5C0];
	_ =	sdelay $0x1  }
0x14a: {  	v54 =	vld [tilespmem:$0x3D0];
	v0 =	vmul.u32 $0x3, v0  }
0x14b: {  	v55 =	vld [tilespmem:$0x1C0]  }
0x14c: {  	v0 =	vadd.s32 $0xFFFFFFFD, v0  }
0x14d: {  	v0 =	vshrl.u32 v53, v0  }
0x14e: {  	v0 =	vshll.u32 v0, $0x7  }
0x14f: {  	v0 =	vand.u32 $0x380, v0  }
0x150: {  	v0 =	vadd.s32 v55, v0  }
0x151: {  	[tilespmem:$0x17C0] =	vst v0  }
0x152: {  	v0 =	vld.idx.msk [tilespmem:v54+s14+$0x0], $0xffff;
	_ =	sdelay $0x2  }
0x153: {  	v56 =	vld [tilespmem:$0x5D0];
	_ =	sdelay $0x1  }
0x154: {  	v57 =	vld [tilespmem:$0x3E0];
	v0 =	vmul.u32 $0x3, v0  }
0x155: {  	v58 =	vld [tilespmem:$0x1D0]  }
0x156: {  	v0 =	vadd.s32 $0xFFFFFFFD, v0  }
0x157: {  	v0 =	vshrl.u32 v56, v0  }
0x158: {  	v0 =	vshll.u32 v0, $0x7  }
0x159: {  	v0 =	vand.u32 $0x380, v0  }
0x15a: {  	v0 =	vadd.s32 v58, v0  }
0x15b: {  	[tilespmem:$0x17D0] =	vst v0  }
0x15c: {  	v0 =	vld.idx.msk [tilespmem:v57+s14+$0x0], $0xffff;
	_ =	sdelay $0x2  }
0x15d: {  	v59 =	vld [tilespmem:$0x5E0];
	_ =	sdelay $0x1  }
0x15e: {  	v60 =	vld [tilespmem:$0x3F0];
	v0 =	vmul.u32 $0x3, v0  }
0x15f: {  	v61 =	vld [tilespmem:$0x1E0]  }
0x160: {  	v0 =	vadd.s32 $0xFFFFFFFD, v0  }
0x161: {  	v0 =	vshrl.u32 v59, v0  }
0x162: {  	v0 =	vshll.u32 v0, $0x7  }
0x163: {  	v0 =	vand.u32 $0x380, v0  }
0x164: {  	v0 =	vadd.s32 v61, v0  }
0x165: {  	[tilespmem:$0x17E0] =	vst v0  }
0x166: {  	v0 =	vld.idx.msk [tilespmem:v60+s14+$0x0], $0xffff;
	_ =	sdelay $0x2  }
0x167: {  	v62 =	vld [tilespmem:$0x5F0];
	_ =	sdelay $0x1  }
0x168: {  	v0 =	vmul.u32 $0x3, v0  }
0x169: {  	v63 =	vld [tilespmem:$0x1F0]  }
0x16a: {  	v0 =	vadd.s32 $0xFFFFFFFD, v0  }
0x16b: {  	v0 =	vshrl.u32 v62, v0  }
0x16c: {  	v0 =	vshll.u32 v0, $0x7  }
0x16d: {  	v0 =	vand.u32 $0x380, v0  }
0x16e: {  	v0 =	vadd.s32 v63, v0  }
0x16f: {  	[tilespmem:$0x17F0] =	vst v0  }
0x170: {  	[tilespmem:s23], [sflag:$0x7] =	stream.indirect.gather [hbm4b:s1+s12], $0x1, s22, s12, $0xb8;
	[tilespmem:$0x1A00] =	vst v63  }
0x171: {  	_ =	swait.ge [sflag:s24], $0x80  }
0x172: {  	[sflag:s24] =	ssyncset.done $0x0  }
0x173: {  	[sflag:s24] =	ssyncadd.s32 $0xFFFFFF80  }
0x174: {  	[hbm4b:s7+s3] =	stream.linear.scatter [tilespmem:s17], [sflag:$0x3], $0x80, $0x38;
	[tilespmem:$0x1A00] =	vst v63  }
0x175: {  	_ =	swait.ge [sflag:s25], $0x80  }
0x176: {  	[sflag:s25] =	ssyncset.done $0x0  }
0x177: {  	[sflag:s25] =	ssyncadd.s32 $0xFFFFFF80  }
0x178: {  	[hbm4b:s8+s3] =	stream.linear.scatter [tilespmem:s19], [sflag:$0x3], $0x80, $0x38;
	[tilespmem:$0x1A00] =	vst v63  }
0x179: {  	_ =	swait.ge [sflag:s26], $0x80  }
0x17a: {  	[sflag:s26] =	ssyncset.done $0x0  }
0x17b: {  	[sflag:s26] =	ssyncadd.s32 $0xFFFFFF80  }
0x17c: {  	[hbm4b:s9+s3] =	stream.linear.scatter [tilespmem:s21], [sflag:$0x3], $0x80, $0x38;
	[tilespmem:$0x1A00] =	vst v63  }
0x17d: {  	_ =	swait.ge [sflag:s28], $0x80  }
0x17e: {  	[sflag:s28] =	ssyncset.done $0x0  }
0x17f: {  	[sflag:s28] =	ssyncadd.s32 $0xFFFFFF80  }
0x180: {  	[hbm4b:s10+s3] =	stream.linear.scatter [tilespmem:s23], [sflag:$0x3], $0x80, $0x38;
	[tilespmem:$0x1A00] =	vst v63  }
0x181: {  	_ =	swait.ge [sflag:s29], $0x80  }
0x182: {  	[sflag:s29] =	ssyncset.done $0x0  }
0x183: {  	[sflag:s29] =	ssyncadd.s32 $0xFFFFFF80  }
0x184: {  	_ =	swait.ge [sflag:s29], $0x80  }
0x185: {  	[sflag:s29] =	ssyncset.done $0x0  }
0x186: {  	[sflag:s29] =	ssyncadd.s32 $0xFFFFFF80  }
0x187: {  	p0 =	sne.s32 s11, $0x1;
	_ =	swait.ge [sflag:s29], $0x80  }
.Ltmp0:
0x188: {  	[sflag:s29] =	ssyncset.done $0x0;
	(pc) =	sbr.rel @p0 .LBB2_1-.Ltmp0, $4  }
0x189: {  	[sflag:s29] =	ssyncadd.s32 $0xFFFFFF80  }
0x18a: {  	_ =	swait.ge [sflag:s29], $0x80  }
0x18b: {  	[sflag:s29] =	ssyncset.done $0x0  }
0x18c: {  	s11 =	sadd.s32 $0xFFFFFFFF, s11;
	[sflag:s29] =	ssyncadd.s32 $0xFFFFFF80  }
0x18d: {  	_ =	sfence.sel $0x180000  }
0x18e: {  	[bflag:$0x0] =	sbarrier.arrive $0xFFFF  }
0x18f: {  	p0 =	sne.s32 s0, $0x0;
	_ =	strace $0x90000047  }
0x190: {  	s0 =	sadd.s32 @!p0 $0x100000, s2;
	[bflag:$0x2] =	sbarrier.arrive $0xFFFF  }
0x191: {  	[sflag:s0] =	ssyncadd.tile.s32 @!p0 $0x1;
	_ =	shalt  }
.Lfunc_end2:
_tile_overlayer_lowered:
.L_overlay_start_2:
0x192: {  	(tag) =	ssettag $0x2  }
0x193: {  	s0 =	rddreg [dreg:$0x0];
	s2 =	stileid.u32  }
0x194: {  	s1 =	rddreg [dreg:$0x1];
	p0 =	sne.s32 s2, $0x0  }
0x195: {  	s3 =	rddreg [dreg:$0x2];
	[bflag:$0x3] =	sbarrier.arrive $0xFFFF;
	s2 =	simm.s32 @!p0 $0x1C08  }
0x196: {  	[timem:s3], [sflag:s2] =	dma.local @!p0 [hbm:s0], s1  }
0x197: {  	s0 =	simm.s32 @!p0 $0x8  }
0x198: {  	_ =	swait.ge @!p0 [sflag:s0], s1  }
0x199: {  	s1 =	ssub.s32 @!p0 $0x0, s1;
	[sflag:s0] =	ssyncset.done @!p0 $0x0  }
0x19a: {  	[sflag:s0] =	ssyncadd.s32 @!p0 s1  }
0x19b: {  	[bflag:$0x3] =	sbarrier.arrive $0xFFFF  }
0x19c: {  	_ =	shalt  }

</sc_bundles>
